<compile_context>
chip_gen: v7x
topology: tpu7x:2x2x1
jax: 0.10.2.dev20260603
libtpu: 0.0.44.dev20260713+nightly
codegen_flags: <defaults>
</compile_context>

<pallas_src>
import functools

import jax
import jax.numpy as jnp
from jax import lax
from jax.experimental import pallas as pl
from jax.experimental.pallas import tpu as pltpu
from jax.experimental.pallas import tpu_sc as plsc

B = 16384
D = 64
NC = 2
NS = 16
NW = NC * NS
BPW = B // NW
CHUNK = 128
NCHUNK = BPW // CHUNK
L = 16
HALF = BPW // 2


def _sc_gather_dot(u_idx3, g_idx3, cat_emb, user_bias1, game_bias1):
    mesh = plsc.VectorSubcoreMesh(core_axis_name="c", subcore_axis_name="s")

    @functools.partial(
        pl.kernel,
        mesh=mesh,
        compiler_params=pltpu.CompilerParams(use_tc_tiling_on_sc=True),
        out_type=[
            jax.ShapeDtypeStruct((NW, L), jnp.float32),
            jax.ShapeDtypeStruct((B,), jnp.float32),
            jax.ShapeDtypeStruct((B,), jnp.float32),
        ],
        scratch_types=[
            pltpu.VMEM((NCHUNK, CHUNK), jnp.int32),
            pltpu.VMEM((NCHUNK, CHUNK), jnp.int32),
            pltpu.VMEM((HALF, 2 * D), jnp.float32),
            pltpu.VMEM((HALF, 2 * D), jnp.float32),
            pltpu.VMEM((BPW,), jnp.float32),
            pltpu.VMEM((BPW,), jnp.float32),
            pltpu.VMEM((L,), jnp.float32),
            pltpu.SemaphoreType.DMA,
            pltpu.SemaphoreType.DMA,
            pltpu.SemaphoreType.DMA,
            pltpu.SemaphoreType.DMA,
        ],
    )
    def k(uidx_hbm, gidx_hbm, cat_hbm, ubias_hbm, gbias_hbm,
          part_out, ub_out, gb_out,
          uidx_v, gidx_v, urows, grows, ub_v, gb_v, acc_v,
          sem_u, sem_g, sem_ub, sem_gb):
        wid = lax.axis_index("s") * NC + lax.axis_index("c")
        base = wid * BPW

        pltpu.sync_copy(uidx_hbm.at[wid], uidx_v)
        pltpu.sync_copy(gidx_hbm.at[wid], gidx_v)

        bias_copies = []
        for j in range(NCHUNK):
            rows = pl.ds(j * CHUNK, CHUNK)
            bias_copies.append(pltpu.async_copy(
                ubias_hbm.at[uidx_v.at[j]], ub_v.at[rows], sem_ub))
            bias_copies.append(pltpu.async_copy(
                gbias_hbm.at[gidx_v.at[j]], gb_v.at[rows], sem_gb))

        z = jnp.zeros((L,), jnp.float32)
        accs = (z, z, z, z)
        for h in range(2):
            copies = []
            for jj in range(NCHUNK // 2):
                j = h * (NCHUNK // 2) + jj
                rows = pl.ds(jj * CHUNK, CHUNK)
                copies.append(pltpu.async_copy(
                    cat_hbm.at[uidx_v.at[j]], urows.at[rows], sem_u))
                copies.append(pltpu.async_copy(
                    cat_hbm.at[gidx_v.at[j]], grows.at[rows], sem_g))
            for c in copies:
                c.wait()

            def body(i, accs):
                a0, a1, a2, a3 = accs
                a0 = a0 + urows[i, pl.ds(0, 16)] * grows[i, pl.ds(64, 16)]
                a1 = a1 + urows[i, pl.ds(16, 16)] * grows[i, pl.ds(80, 16)]
                a2 = a2 + urows[i, pl.ds(32, 16)] * grows[i, pl.ds(96, 16)]
                a3 = a3 + urows[i, pl.ds(48, 16)] * grows[i, pl.ds(112, 16)]
                return (a0, a1, a2, a3)

            accs = lax.fori_loop(0, HALF, body, accs)

        a0, a1, a2, a3 = accs
        acc_v[...] = (a0 + a1) + (a2 + a3)
        pltpu.sync_copy(acc_v, part_out.at[wid])

        for c in bias_copies:
            c.wait()
        pltpu.sync_copy(ub_v, ub_out.at[pl.ds(base, BPW)])
        pltpu.sync_copy(gb_v, gb_out.at[pl.ds(base, BPW)])

    return k(u_idx3, g_idx3, cat_emb, user_bias1, game_bias1)


def _tc_finalize(partials, ub2, gb2):
    def body(p_ref, u_ref, g_ref, o_ref):
        s = jnp.sum(p_ref[...])
        o_ref[...] = jax.nn.sigmoid(s + u_ref[...] + g_ref[...])

    return pl.pallas_call(
        body,
        out_shape=jax.ShapeDtypeStruct(ub2.shape, jnp.float32),
    )(partials, ub2, gb2)


def kernel(inputs, user_emb, user_bias_table, game_emb, game_bias_table):
    u_idx = inputs[:, 0].astype(jnp.int32)
    g_idx = inputs[:, 1].astype(jnp.int32)
    u3 = u_idx.reshape(NW, NCHUNK, CHUNK)
    g3 = g_idx.reshape(NW, NCHUNK, CHUNK)
    cat = jnp.concatenate([user_emb, game_emb], axis=1)
    partials, ub, gb = _sc_gather_dot(
        u3, g3, cat,
        user_bias_table.reshape(-1), game_bias_table.reshape(-1))
    out = _tc_finalize(partials, ub.reshape(128, 128), gb.reshape(128, 128))
    return out.reshape(B, 1)

# --- scband reference (transcript-rebuilt; emitter-appended) ---
"""Pipeline reference for scband-recommender-net-26654567039095 (READ-ONLY COPY).

The authoritative reference and input builder live on the scoring server;
editing this copy changes nothing except your own understanding.
"""

import jax, jax.numpy as jnp
import numpy as np

NUM_USER = 100000
NUM_GAME = 100000
EMBED = 64
BATCH = 16384


def setup_inputs(seed: int = 0) -> dict:
    key = jax.random.key(seed)
    k1, k2, k3, k4, k5 = jax.random.split(key, 5)
    inputs = jax.random.randint(k1, (BATCH, 2), 0, NUM_USER)
    # he_normal init for embedding tables: stddev = sqrt(2 / fan_in)
    user_emb = jax.random.normal(k2, (NUM_USER, EMBED), dtype=jnp.float32) * np.sqrt(2.0 / NUM_USER)
    user_bias = jnp.zeros((NUM_USER, 1), dtype=jnp.float32)
    game_emb = jax.random.normal(k3, (NUM_GAME, EMBED), dtype=jnp.float32) * np.sqrt(2.0 / NUM_GAME)
    game_bias = jnp.zeros((NUM_GAME, 1), dtype=jnp.float32)
    return {
        "inputs": inputs,
        "user_emb": user_emb,
        "user_bias_table": user_bias,
        "game_emb": game_emb,
        "game_bias_table": game_bias,
    }


def reference(inputs, user_emb, user_bias_table, game_emb, game_bias_table):
    # Embedding lookups (gathers)
    user_vector = jnp.take(user_emb, inputs[:, 0], axis=0)          # [B, D]
    user_bias = jnp.take(user_bias_table, inputs[:, 0], axis=0)     # [B, 1]
    game_vector = jnp.take(game_emb, inputs[:, 1], axis=0)          # [B, D]
    game_bias = jnp.take(game_bias_table, inputs[:, 1], axis=0)     # [B, 1]
    # Faithful to tf.tensordot(user_vector, game_vector, 2):
    # axes=2 contracts BOTH axes -> scalar (known quirk of this Keras tutorial model)
    dot_user_game = jnp.tensordot(user_vector, game_vector, 2)      # scalar
    x = dot_user_game + user_bias + game_bias                        # broadcast -> [B, 1]
    return jax.nn.sigmoid(x)

if __name__ == "__main__":
    import jax
    _d = setup_inputs()
    print(jax.jit(kernel)(*tuple(_d.values())))

</pallas_src>

<mosaic_0001>
#map = affine_map<(d0, d1) -> (0, 0, 0)>
#map1 = affine_map<(d0, d1) -> (0, 0)>
#map2 = affine_map<(d0, d1) -> (0)>
module attributes {stable_mosaic.version = 14 : i64} {
  func.func @k(%arg0: i32, %arg1: i32, %arg2: memref<32x4x128xi32, #tpu.memory_space<hbm>>, %arg3: memref<32x4x128xi32, #tpu.memory_space<hbm>>, %arg4: memref<100000x128xf32, #tpu.memory_space<hbm>>, %arg5: memref<100000xf32, #tpu.memory_space<hbm>>, %arg6: memref<100000xf32, #tpu.memory_space<hbm>>, %arg7: memref<32x16xf32, #tpu.memory_space<hbm>>, %arg8: memref<16384xf32, #tpu.memory_space<hbm>>, %arg9: memref<16384xf32, #tpu.memory_space<hbm>>, %arg10: memref<4x128xi32, #tpu.memory_space<vmem>>, %arg11: memref<4x128xi32, #tpu.memory_space<vmem>>, %arg12: memref<256x128xf32, #tpu.memory_space<vmem>>, %arg13: memref<256x128xf32, #tpu.memory_space<vmem>>, %arg14: memref<512xf32, #tpu.memory_space<vmem>>, %arg15: memref<512xf32, #tpu.memory_space<vmem>>, %arg16: memref<16xf32, #tpu.memory_space<vmem>>, %arg17: memref<!tpu.dma_semaphore, #tpu.memory_space<semaphore_mem>>, %arg18: memref<!tpu.dma_semaphore, #tpu.memory_space<semaphore_mem>>, %arg19: memref<!tpu.dma_semaphore, #tpu.memory_space<semaphore_mem>>, %arg20: memref<!tpu.dma_semaphore, #tpu.memory_space<semaphore_mem>>) attributes {dimension_semantics = [#tpu.dimension_semantics<core_parallel>, #tpu.dimension_semantics<subcore_parallel>], iteration_bounds = array<i64: 2, 16>, scalar_prefetch = 0 : i64, scratch_operands = 11 : i64, tpu.core_type = #tpu.core_type<sc_vector_subcore>, window_params = [{transform_indices = #map}, {transform_indices = #map}, {transform_indices = #map1}, {transform_indices = #map2}, {transform_indices = #map2}, {transform_indices = #map1}, {transform_indices = #map2}, {transform_indices = #map2}]} {
    %mul3A = arith.constant 2 : i32
    %mul3A_0 = arith.muli %arg1, %mul3A : i32
    %add3A = arith.addi %mul3A_0, %arg0 : i32
    %mul3A_1 = arith.constant 512 : i32
    %mul3A_2 = arith.muli %add3A, %mul3A_1 : i32
    "tpu.region"() ({
      %run_scoped3A = tpu.sem_alloc : memref<!tpu.dma_semaphore, #tpu.memory_space<semaphore_mem>>
      %dma_start3A_307 = arith.constant 0 : i32
      %dma_start3A_308 = arith.constant 0 : i32
      %dma_start3A_309 = tpu.memref_slice %arg2[%add3A, %dma_start3A_307, %dma_start3A_308] : memref<32x4x128xi32, #tpu.memory_space<hbm>> -> memref<1x4x128xi32, #tpu.memory_space<hbm>>
      %dma_start3A_310 = tpu.memref_squeeze %dma_start3A_309 : memref<1x4x128xi32, #tpu.memory_space<hbm>> -> memref<4x128xi32, #tpu.memory_space<hbm>>
      %dma_start3A_311 = arith.constant 0 : i32
      %dma_start3A_312 = arith.constant 0 : i32
      %dma_start3A_313 = tpu.memref_slice %arg2[%add3A, %dma_start3A_311, %dma_start3A_312] : memref<32x4x128xi32, #tpu.memory_space<hbm>> -> memref<1x4x128xi32, #tpu.memory_space<hbm>>
      %dma_start3A_314 = tpu.memref_squeeze %dma_start3A_313 : memref<1x4x128xi32, #tpu.memory_space<hbm>> -> memref<4x128xi32, #tpu.memory_space<hbm>>
      tpu.enqueue_dma source(%dma_start3A_314 : memref<4x128xi32, #tpu.memory_space<hbm>>) target(%arg10 : memref<4x128xi32, #tpu.memory_space<vmem>>) target_semaphore(%run_scoped3A : memref<!tpu.dma_semaphore, #tpu.memory_space<semaphore_mem>>)
      %dma_wait3A_315 = arith.constant 0 : i32
      %dma_wait3A_316 = arith.constant 0 : i32
      %dma_wait3A_317 = tpu.memref_slice %arg2[%add3A, %dma_wait3A_315, %dma_wait3A_316] : memref<32x4x128xi32, #tpu.memory_space<hbm>> -> memref<1x4x128xi32, #tpu.memory_space<hbm>>
      %dma_wait3A_318 = tpu.memref_squeeze %dma_wait3A_317 : memref<1x4x128xi32, #tpu.memory_space<hbm>> -> memref<4x128xi32, #tpu.memory_space<hbm>>
      %dma_wait3A_319 = arith.constant 0 : i32
      %dma_wait3A_320 = arith.constant 0 : i32
      %dma_wait3A_321 = tpu.memref_slice %arg2[%add3A, %dma_wait3A_319, %dma_wait3A_320] : memref<32x4x128xi32, #tpu.memory_space<hbm>> -> memref<1x4x128xi32, #tpu.memory_space<hbm>>
      %dma_wait3A_322 = tpu.memref_squeeze %dma_wait3A_321 : memref<1x4x128xi32, #tpu.memory_space<hbm>> -> memref<4x128xi32, #tpu.memory_space<hbm>>
      tpu.wait_dma2 semaphore(%run_scoped3A : memref<!tpu.dma_semaphore, #tpu.memory_space<semaphore_mem>>) src(%dma_wait3A_322 : memref<4x128xi32, #tpu.memory_space<hbm>>) dst(%arg10 : memref<4x128xi32, #tpu.memory_space<vmem>>)
      tpu.yield
    }) : () -> ()
    "tpu.region"() ({
      %run_scoped3A = tpu.sem_alloc : memref<!tpu.dma_semaphore, #tpu.memory_space<semaphore_mem>>
      %dma_start3A_307 = arith.constant 0 : i32
      %dma_start3A_308 = arith.constant 0 : i32
      %dma_start3A_309 = tpu.memref_slice %arg3[%add3A, %dma_start3A_307, %dma_start3A_308] : memref<32x4x128xi32, #tpu.memory_space<hbm>> -> memref<1x4x128xi32, #tpu.memory_space<hbm>>
      %dma_start3A_310 = tpu.memref_squeeze %dma_start3A_309 : memref<1x4x128xi32, #tpu.memory_space<hbm>> -> memref<4x128xi32, #tpu.memory_space<hbm>>
      %dma_start3A_311 = arith.constant 0 : i32
      %dma_start3A_312 = arith.constant 0 : i32
      %dma_start3A_313 = tpu.memref_slice %arg3[%add3A, %dma_start3A_311, %dma_start3A_312] : memref<32x4x128xi32, #tpu.memory_space<hbm>> -> memref<1x4x128xi32, #tpu.memory_space<hbm>>
      %dma_start3A_314 = tpu.memref_squeeze %dma_start3A_313 : memref<1x4x128xi32, #tpu.memory_space<hbm>> -> memref<4x128xi32, #tpu.memory_space<hbm>>
      tpu.enqueue_dma source(%dma_start3A_314 : memref<4x128xi32, #tpu.memory_space<hbm>>) target(%arg11 : memref<4x128xi32, #tpu.memory_space<vmem>>) target_semaphore(%run_scoped3A : memref<!tpu.dma_semaphore, #tpu.memory_space<semaphore_mem>>)
      %dma_wait3A_315 = arith.constant 0 : i32
      %dma_wait3A_316 = arith.constant 0 : i32
      %dma_wait3A_317 = tpu.memref_slice %arg3[%add3A, %dma_wait3A_315, %dma_wait3A_316] : memref<32x4x128xi32, #tpu.memory_space<hbm>> -> memref<1x4x128xi32, #tpu.memory_space<hbm>>
      %dma_wait3A_318 = tpu.memref_squeeze %dma_wait3A_317 : memref<1x4x128xi32, #tpu.memory_space<hbm>> -> memref<4x128xi32, #tpu.memory_space<hbm>>
      %dma_wait3A_319 = arith.constant 0 : i32
      %dma_wait3A_320 = arith.constant 0 : i32
      %dma_wait3A_321 = tpu.memref_slice %arg3[%add3A, %dma_wait3A_319, %dma_wait3A_320] : memref<32x4x128xi32, #tpu.memory_space<hbm>> -> memref<1x4x128xi32, #tpu.memory_space<hbm>>
      %dma_wait3A_322 = tpu.memref_squeeze %dma_wait3A_321 : memref<1x4x128xi32, #tpu.memory_space<hbm>> -> memref<4x128xi32, #tpu.memory_space<hbm>>
      tpu.wait_dma2 semaphore(%run_scoped3A : memref<!tpu.dma_semaphore, #tpu.memory_space<semaphore_mem>>) src(%dma_wait3A_322 : memref<4x128xi32, #tpu.memory_space<hbm>>) dst(%arg11 : memref<4x128xi32, #tpu.memory_space<vmem>>)
      tpu.yield
    }) : () -> ()
    %dma_start3A = arith.constant 0 : i32
    %dma_start3A_3 = arith.constant 0 : i32
    %dma_start3A_4 = tpu.memref_slice %arg14[%dma_start3A_3] : memref<512xf32, #tpu.memory_space<vmem>> -> memref<128xf32, #tpu.memory_space<vmem>>
    %dma_start3A_5 = arith.constant 0 : i32
    %dma_start3A_6 = tpu.memref_slice %arg10[%dma_start3A, %dma_start3A_5] : memref<4x128xi32, #tpu.memory_space<vmem>> -> memref<1x128xi32, #tpu.memory_space<vmem>>
    %dma_start3A_7 = tpu.memref_squeeze %dma_start3A_6 : memref<1x128xi32, #tpu.memory_space<vmem>> -> memref<128xi32, #tpu.memory_space<vmem>>
    %dma_start3A_8 = arith.constant 0 : i32
    %dma_start3A_9 = tpu.memref_slice %arg5[%dma_start3A_8] : memref<100000xf32, #tpu.memory_space<hbm>> -> memref<100000xf32, #tpu.memory_space<hbm>>
    tpu.enqueue_indirect_dma source(%dma_start3A_9 : memref<100000xf32, #tpu.memory_space<hbm>>) target(%dma_start3A_4 : memref<128xf32, #tpu.memory_space<vmem>>) offsets(%dma_start3A_7 : memref<128xi32, #tpu.memory_space<vmem>>) semaphore(%arg19 : memref<!tpu.dma_semaphore, #tpu.memory_space<semaphore_mem>>)
    %dma_start3A_10 = arith.constant 0 : i32
    %dma_start3A_11 = arith.constant 0 : i32
    %dma_start3A_12 = tpu.memref_slice %arg15[%dma_start3A_11] : memref<512xf32, #tpu.memory_space<vmem>> -> memref<128xf32, #tpu.memory_space<vmem>>
    %dma_start3A_13 = arith.constant 0 : i32
    %dma_start3A_14 = tpu.memref_slice %arg11[%dma_start3A_10, %dma_start3A_13] : memref<4x128xi32, #tpu.memory_space<vmem>> -> memref<1x128xi32, #tpu.memory_space<vmem>>
    %dma_start3A_15 = tpu.memref_squeeze %dma_start3A_14 : memref<1x128xi32, #tpu.memory_space<vmem>> -> memref<128xi32, #tpu.memory_space<vmem>>
    %dma_start3A_16 = arith.constant 0 : i32
    %dma_start3A_17 = tpu.memref_slice %arg6[%dma_start3A_16] : memref<100000xf32, #tpu.memory_space<hbm>> -> memref<100000xf32, #tpu.memory_space<hbm>>
    tpu.enqueue_indirect_dma source(%dma_start3A_17 : memref<100000xf32, #tpu.memory_space<hbm>>) target(%dma_start3A_12 : memref<128xf32, #tpu.memory_space<vmem>>) offsets(%dma_start3A_15 : memref<128xi32, #tpu.memory_space<vmem>>) semaphore(%arg20 : memref<!tpu.dma_semaphore, #tpu.memory_space<semaphore_mem>>)
    %dma_start3A_18 = arith.constant 1 : i32
    %dma_start3A_19 = arith.constant 128 : i32
    %dma_start3A_20 = tpu.memref_slice %arg14[%dma_start3A_19] : memref<512xf32, #tpu.memory_space<vmem>> -> memref<128xf32, #tpu.memory_space<vmem>>
    %dma_start3A_21 = arith.constant 0 : i32
    %dma_start3A_22 = tpu.memref_slice %arg10[%dma_start3A_18, %dma_start3A_21] : memref<4x128xi32, #tpu.memory_space<vmem>> -> memref<1x128xi32, #tpu.memory_space<vmem>>
    %dma_start3A_23 = tpu.memref_squeeze %dma_start3A_22 : memref<1x128xi32, #tpu.memory_space<vmem>> -> memref<128xi32, #tpu.memory_space<vmem>>
    %dma_start3A_24 = arith.constant 0 : i32
    %dma_start3A_25 = tpu.memref_slice %arg5[%dma_start3A_24] : memref<100000xf32, #tpu.memory_space<hbm>> -> memref<100000xf32, #tpu.memory_space<hbm>>
    tpu.enqueue_indirect_dma source(%dma_start3A_25 : memref<100000xf32, #tpu.memory_space<hbm>>) target(%dma_start3A_20 : memref<128xf32, #tpu.memory_space<vmem>>) offsets(%dma_start3A_23 : memref<128xi32, #tpu.memory_space<vmem>>) semaphore(%arg19 : memref<!tpu.dma_semaphore, #tpu.memory_space<semaphore_mem>>)
    %dma_start3A_26 = arith.constant 1 : i32
    %dma_start3A_27 = arith.constant 128 : i32
    %dma_start3A_28 = tpu.memref_slice %arg15[%dma_start3A_27] : memref<512xf32, #tpu.memory_space<vmem>> -> memref<128xf32, #tpu.memory_space<vmem>>
    %dma_start3A_29 = arith.constant 0 : i32
    %dma_start3A_30 = tpu.memref_slice %arg11[%dma_start3A_26, %dma_start3A_29] : memref<4x128xi32, #tpu.memory_space<vmem>> -> memref<1x128xi32, #tpu.memory_space<vmem>>
    %dma_start3A_31 = tpu.memref_squeeze %dma_start3A_30 : memref<1x128xi32, #tpu.memory_space<vmem>> -> memref<128xi32, #tpu.memory_space<vmem>>
    %dma_start3A_32 = arith.constant 0 : i32
    %dma_start3A_33 = tpu.memref_slice %arg6[%dma_start3A_32] : memref<100000xf32, #tpu.memory_space<hbm>> -> memref<100000xf32, #tpu.memory_space<hbm>>
    tpu.enqueue_indirect_dma source(%dma_start3A_33 : memref<100000xf32, #tpu.memory_space<hbm>>) target(%dma_start3A_28 : memref<128xf32, #tpu.memory_space<vmem>>) offsets(%dma_start3A_31 : memref<128xi32, #tpu.memory_space<vmem>>) semaphore(%arg20 : memref<!tpu.dma_semaphore, #tpu.memory_space<semaphore_mem>>)
    %dma_start3A_34 = arith.constant 2 : i32
    %dma_start3A_35 = arith.constant 256 : i32
    %dma_start3A_36 = tpu.memref_slice %arg14[%dma_start3A_35] : memref<512xf32, #tpu.memory_space<vmem>> -> memref<128xf32, #tpu.memory_space<vmem>>
    %dma_start3A_37 = arith.constant 0 : i32
    %dma_start3A_38 = tpu.memref_slice %arg10[%dma_start3A_34, %dma_start3A_37] : memref<4x128xi32, #tpu.memory_space<vmem>> -> memref<1x128xi32, #tpu.memory_space<vmem>>
    %dma_start3A_39 = tpu.memref_squeeze %dma_start3A_38 : memref<1x128xi32, #tpu.memory_space<vmem>> -> memref<128xi32, #tpu.memory_space<vmem>>
    %dma_start3A_40 = arith.constant 0 : i32
    %dma_start3A_41 = tpu.memref_slice %arg5[%dma_start3A_40] : memref<100000xf32, #tpu.memory_space<hbm>> -> memref<100000xf32, #tpu.memory_space<hbm>>
    tpu.enqueue_indirect_dma source(%dma_start3A_41 : memref<100000xf32, #tpu.memory_space<hbm>>) target(%dma_start3A_36 : memref<128xf32, #tpu.memory_space<vmem>>) offsets(%dma_start3A_39 : memref<128xi32, #tpu.memory_space<vmem>>) semaphore(%arg19 : memref<!tpu.dma_semaphore, #tpu.memory_space<semaphore_mem>>)
    %dma_start3A_42 = arith.constant 2 : i32
    %dma_start3A_43 = arith.constant 256 : i32
    %dma_start3A_44 = tpu.memref_slice %arg15[%dma_start3A_43] : memref<512xf32, #tpu.memory_space<vmem>> -> memref<128xf32, #tpu.memory_space<vmem>>
    %dma_start3A_45 = arith.constant 0 : i32
    %dma_start3A_46 = tpu.memref_slice %arg11[%dma_start3A_42, %dma_start3A_45] : memref<4x128xi32, #tpu.memory_space<vmem>> -> memref<1x128xi32, #tpu.memory_space<vmem>>
    %dma_start3A_47 = tpu.memref_squeeze %dma_start3A_46 : memref<1x128xi32, #tpu.memory_space<vmem>> -> memref<128xi32, #tpu.memory_space<vmem>>
    %dma_start3A_48 = arith.constant 0 : i32
    %dma_start3A_49 = tpu.memref_slice %arg6[%dma_start3A_48] : memref<100000xf32, #tpu.memory_space<hbm>> -> memref<100000xf32, #tpu.memory_space<hbm>>
    tpu.enqueue_indirect_dma source(%dma_start3A_49 : memref<100000xf32, #tpu.memory_space<hbm>>) target(%dma_start3A_44 : memref<128xf32, #tpu.memory_space<vmem>>) offsets(%dma_start3A_47 : memref<128xi32, #tpu.memory_space<vmem>>) semaphore(%arg20 : memref<!tpu.dma_semaphore, #tpu.memory_space<semaphore_mem>>)
    %dma_start3A_50 = arith.constant 3 : i32
    %dma_start3A_51 = arith.constant 384 : i32
    %dma_start3A_52 = tpu.memref_slice %arg14[%dma_start3A_51] : memref<512xf32, #tpu.memory_space<vmem>> -> memref<128xf32, #tpu.memory_space<vmem>>
    %dma_start3A_53 = arith.constant 0 : i32
    %dma_start3A_54 = tpu.memref_slice %arg10[%dma_start3A_50, %dma_start3A_53] : memref<4x128xi32, #tpu.memory_space<vmem>> -> memref<1x128xi32, #tpu.memory_space<vmem>>
    %dma_start3A_55 = tpu.memref_squeeze %dma_start3A_54 : memref<1x128xi32, #tpu.memory_space<vmem>> -> memref<128xi32, #tpu.memory_space<vmem>>
    %dma_start3A_56 = arith.constant 0 : i32
    %dma_start3A_57 = tpu.memref_slice %arg5[%dma_start3A_56] : memref<100000xf32, #tpu.memory_space<hbm>> -> memref<100000xf32, #tpu.memory_space<hbm>>
    tpu.enqueue_indirect_dma source(%dma_start3A_57 : memref<100000xf32, #tpu.memory_space<hbm>>) target(%dma_start3A_52 : memref<128xf32, #tpu.memory_space<vmem>>) offsets(%dma_start3A_55 : memref<128xi32, #tpu.memory_space<vmem>>) semaphore(%arg19 : memref<!tpu.dma_semaphore, #tpu.memory_space<semaphore_mem>>)
    %dma_start3A_58 = arith.constant 3 : i32
    %dma_start3A_59 = arith.constant 384 : i32
    %dma_start3A_60 = tpu.memref_slice %arg15[%dma_start3A_59] : memref<512xf32, #tpu.memory_space<vmem>> -> memref<128xf32, #tpu.memory_space<vmem>>
    %dma_start3A_61 = arith.constant 0 : i32
    %dma_start3A_62 = tpu.memref_slice %arg11[%dma_start3A_58, %dma_start3A_61] : memref<4x128xi32, #tpu.memory_space<vmem>> -> memref<1x128xi32, #tpu.memory_space<vmem>>
    %dma_start3A_63 = tpu.memref_squeeze %dma_start3A_62 : memref<1x128xi32, #tpu.memory_space<vmem>> -> memref<128xi32, #tpu.memory_space<vmem>>
    %dma_start3A_64 = arith.constant 0 : i32
    %dma_start3A_65 = tpu.memref_slice %arg6[%dma_start3A_64] : memref<100000xf32, #tpu.memory_space<hbm>> -> memref<100000xf32, #tpu.memory_space<hbm>>
    tpu.enqueue_indirect_dma source(%dma_start3A_65 : memref<100000xf32, #tpu.memory_space<hbm>>) target(%dma_start3A_60 : memref<128xf32, #tpu.memory_space<vmem>>) offsets(%dma_start3A_63 : memref<128xi32, #tpu.memory_space<vmem>>) semaphore(%arg20 : memref<!tpu.dma_semaphore, #tpu.memory_space<semaphore_mem>>)
    %broadcast_in_dim3A = arith.constant 0.000000e+00 : f32
    %broadcast_in_dim3A_66 = vector.broadcast %broadcast_in_dim3A : f32 to vector<16xf32>
    %dma_start3A_67 = arith.constant 0 : i32
    %dma_start3A_68 = arith.constant 0 : i32
    %dma_start3A_69 = arith.constant 0 : i32
    %dma_start3A_70 = tpu.memref_slice %arg12[%dma_start3A_68, %dma_start3A_69] : memref<256x128xf32, #tpu.memory_space<vmem>> -> memref<128x128xf32, #tpu.memory_space<vmem>>
    %dma_start3A_71 = arith.constant 0 : i32
    %dma_start3A_72 = tpu.memref_slice %arg10[%dma_start3A_67, %dma_start3A_71] : memref<4x128xi32, #tpu.memory_space<vmem>> -> memref<1x128xi32, #tpu.memory_space<vmem>>
    %dma_start3A_73 = tpu.memref_squeeze %dma_start3A_72 : memref<1x128xi32, #tpu.memory_space<vmem>> -> memref<128xi32, #tpu.memory_space<vmem>>
    %dma_start3A_74 = arith.constant 0 : i32
    %dma_start3A_75 = arith.constant 0 : i32
    %dma_start3A_76 = tpu.memref_slice %arg4[%dma_start3A_74, %dma_start3A_75] : memref<100000x128xf32, #tpu.memory_space<hbm>> -> memref<100000x128xf32, #tpu.memory_space<hbm>>
    tpu.enqueue_indirect_dma source(%dma_start3A_76 : memref<100000x128xf32, #tpu.memory_space<hbm>>) target(%dma_start3A_70 : memref<128x128xf32, #tpu.memory_space<vmem>>) offsets(%dma_start3A_73 : memref<128xi32, #tpu.memory_space<vmem>>) semaphore(%arg17 : memref<!tpu.dma_semaphore, #tpu.memory_space<semaphore_mem>>)
    %dma_start3A_77 = arith.constant 0 : i32
    %dma_start3A_78 = arith.constant 0 : i32
    %dma_start3A_79 = arith.constant 0 : i32
    %dma_start3A_80 = tpu.memref_slice %arg13[%dma_start3A_78, %dma_start3A_79] : memref<256x128xf32, #tpu.memory_space<vmem>> -> memref<128x128xf32, #tpu.memory_space<vmem>>
    %dma_start3A_81 = arith.constant 0 : i32
    %dma_start3A_82 = tpu.memref_slice %arg11[%dma_start3A_77, %dma_start3A_81] : memref<4x128xi32, #tpu.memory_space<vmem>> -> memref<1x128xi32, #tpu.memory_space<vmem>>
    %dma_start3A_83 = tpu.memref_squeeze %dma_start3A_82 : memref<1x128xi32, #tpu.memory_space<vmem>> -> memref<128xi32, #tpu.memory_space<vmem>>
    %dma_start3A_84 = arith.constant 0 : i32
    %dma_start3A_85 = arith.constant 0 : i32
    %dma_start3A_86 = tpu.memref_slice %arg4[%dma_start3A_84, %dma_start3A_85] : memref<100000x128xf32, #tpu.memory_space<hbm>> -> memref<100000x128xf32, #tpu.memory_space<hbm>>
    tpu.enqueue_indirect_dma source(%dma_start3A_86 : memref<100000x128xf32, #tpu.memory_space<hbm>>) target(%dma_start3A_80 : memref<128x128xf32, #tpu.memory_space<vmem>>) offsets(%dma_start3A_83 : memref<128xi32, #tpu.memory_space<vmem>>) semaphore(%arg18 : memref<!tpu.dma_semaphore, #tpu.memory_space<semaphore_mem>>)
    %dma_start3A_87 = arith.constant 1 : i32
    %dma_start3A_88 = arith.constant 128 : i32
    %dma_start3A_89 = arith.constant 0 : i32
    %dma_start3A_90 = tpu.memref_slice %arg12[%dma_start3A_88, %dma_start3A_89] : memref<256x128xf32, #tpu.memory_space<vmem>> -> memref<128x128xf32, #tpu.memory_space<vmem>>
    %dma_start3A_91 = arith.constant 0 : i32
    %dma_start3A_92 = tpu.memref_slice %arg10[%dma_start3A_87, %dma_start3A_91] : memref<4x128xi32, #tpu.memory_space<vmem>> -> memref<1x128xi32, #tpu.memory_space<vmem>>
    %dma_start3A_93 = tpu.memref_squeeze %dma_start3A_92 : memref<1x128xi32, #tpu.memory_space<vmem>> -> memref<128xi32, #tpu.memory_space<vmem>>
    %dma_start3A_94 = arith.constant 0 : i32
    %dma_start3A_95 = arith.constant 0 : i32
    %dma_start3A_96 = tpu.memref_slice %arg4[%dma_start3A_94, %dma_start3A_95] : memref<100000x128xf32, #tpu.memory_space<hbm>> -> memref<100000x128xf32, #tpu.memory_space<hbm>>
    tpu.enqueue_indirect_dma source(%dma_start3A_96 : memref<100000x128xf32, #tpu.memory_space<hbm>>) target(%dma_start3A_90 : memref<128x128xf32, #tpu.memory_space<vmem>>) offsets(%dma_start3A_93 : memref<128xi32, #tpu.memory_space<vmem>>) semaphore(%arg17 : memref<!tpu.dma_semaphore, #tpu.memory_space<semaphore_mem>>)
    %dma_start3A_97 = arith.constant 1 : i32
    %dma_start3A_98 = arith.constant 128 : i32
    %dma_start3A_99 = arith.constant 0 : i32
    %dma_start3A_100 = tpu.memref_slice %arg13[%dma_start3A_98, %dma_start3A_99] : memref<256x128xf32, #tpu.memory_space<vmem>> -> memref<128x128xf32, #tpu.memory_space<vmem>>
    %dma_start3A_101 = arith.constant 0 : i32
    %dma_start3A_102 = tpu.memref_slice %arg11[%dma_start3A_97, %dma_start3A_101] : memref<4x128xi32, #tpu.memory_space<vmem>> -> memref<1x128xi32, #tpu.memory_space<vmem>>
    %dma_start3A_103 = tpu.memref_squeeze %dma_start3A_102 : memref<1x128xi32, #tpu.memory_space<vmem>> -> memref<128xi32, #tpu.memory_space<vmem>>
    %dma_start3A_104 = arith.constant 0 : i32
    %dma_start3A_105 = arith.constant 0 : i32
    %dma_start3A_106 = tpu.memref_slice %arg4[%dma_start3A_104, %dma_start3A_105] : memref<100000x128xf32, #tpu.memory_space<hbm>> -> memref<100000x128xf32, #tpu.memory_space<hbm>>
    tpu.enqueue_indirect_dma source(%dma_start3A_106 : memref<100000x128xf32, #tpu.memory_space<hbm>>) target(%dma_start3A_100 : memref<128x128xf32, #tpu.memory_space<vmem>>) offsets(%dma_start3A_103 : memref<128xi32, #tpu.memory_space<vmem>>) semaphore(%arg18 : memref<!tpu.dma_semaphore, #tpu.memory_space<semaphore_mem>>)
    %dma_wait3A = arith.constant 0 : i32
    %dma_wait3A_107 = arith.constant 0 : i32
    %dma_wait3A_108 = arith.constant 0 : i32
    %dma_wait3A_109 = tpu.memref_slice %arg12[%dma_wait3A_107, %dma_wait3A_108] : memref<256x128xf32, #tpu.memory_space<vmem>> -> memref<128x128xf32, #tpu.memory_space<vmem>>
    %dma_wait3A_110 = arith.constant 0 : i32
    %dma_wait3A_111 = tpu.memref_slice %arg10[%dma_wait3A, %dma_wait3A_110] : memref<4x128xi32, #tpu.memory_space<vmem>> -> memref<1x128xi32, #tpu.memory_space<vmem>>
    %dma_wait3A_112 = tpu.memref_squeeze %dma_wait3A_111 : memref<1x128xi32, #tpu.memory_space<vmem>> -> memref<128xi32, #tpu.memory_space<vmem>>
    %dma_wait3A_113 = arith.constant 0 : i32
    %dma_wait3A_114 = arith.constant 0 : i32
    %dma_wait3A_115 = tpu.memref_slice %arg4[%dma_wait3A_113, %dma_wait3A_114] : memref<100000x128xf32, #tpu.memory_space<hbm>> -> memref<100000x128xf32, #tpu.memory_space<hbm>>
    tpu.wait_indirect_dma semaphore(%arg17 : memref<!tpu.dma_semaphore, #tpu.memory_space<semaphore_mem>>) src(%dma_wait3A_115 : memref<100000x128xf32, #tpu.memory_space<hbm>>) dst(%dma_wait3A_109 : memref<128x128xf32, #tpu.memory_space<vmem>>)
    %dma_wait3A_116 = arith.constant 0 : i32
    %dma_wait3A_117 = arith.constant 0 : i32
    %dma_wait3A_118 = arith.constant 0 : i32
    %dma_wait3A_119 = tpu.memref_slice %arg13[%dma_wait3A_117, %dma_wait3A_118] : memref<256x128xf32, #tpu.memory_space<vmem>> -> memref<128x128xf32, #tpu.memory_space<vmem>>
    %dma_wait3A_120 = arith.constant 0 : i32
    %dma_wait3A_121 = tpu.memref_slice %arg11[%dma_wait3A_116, %dma_wait3A_120] : memref<4x128xi32, #tpu.memory_space<vmem>> -> memref<1x128xi32, #tpu.memory_space<vmem>>
    %dma_wait3A_122 = tpu.memref_squeeze %dma_wait3A_121 : memref<1x128xi32, #tpu.memory_space<vmem>> -> memref<128xi32, #tpu.memory_space<vmem>>
    %dma_wait3A_123 = arith.constant 0 : i32
    %dma_wait3A_124 = arith.constant 0 : i32
    %dma_wait3A_125 = tpu.memref_slice %arg4[%dma_wait3A_123, %dma_wait3A_124] : memref<100000x128xf32, #tpu.memory_space<hbm>> -> memref<100000x128xf32, #tpu.memory_space<hbm>>
    tpu.wait_indirect_dma semaphore(%arg18 : memref<!tpu.dma_semaphore, #tpu.memory_space<semaphore_mem>>) src(%dma_wait3A_125 : memref<100000x128xf32, #tpu.memory_space<hbm>>) dst(%dma_wait3A_119 : memref<128x128xf32, #tpu.memory_space<vmem>>)
    %dma_wait3A_126 = arith.constant 1 : i32
    %dma_wait3A_127 = arith.constant 128 : i32
    %dma_wait3A_128 = arith.constant 0 : i32
    %dma_wait3A_129 = tpu.memref_slice %arg12[%dma_wait3A_127, %dma_wait3A_128] : memref<256x128xf32, #tpu.memory_space<vmem>> -> memref<128x128xf32, #tpu.memory_space<vmem>>
    %dma_wait3A_130 = arith.constant 0 : i32
    %dma_wait3A_131 = tpu.memref_slice %arg10[%dma_wait3A_126, %dma_wait3A_130] : memref<4x128xi32, #tpu.memory_space<vmem>> -> memref<1x128xi32, #tpu.memory_space<vmem>>
    %dma_wait3A_132 = tpu.memref_squeeze %dma_wait3A_131 : memref<1x128xi32, #tpu.memory_space<vmem>> -> memref<128xi32, #tpu.memory_space<vmem>>
    %dma_wait3A_133 = arith.constant 0 : i32
    %dma_wait3A_134 = arith.constant 0 : i32
    %dma_wait3A_135 = tpu.memref_slice %arg4[%dma_wait3A_133, %dma_wait3A_134] : memref<100000x128xf32, #tpu.memory_space<hbm>> -> memref<100000x128xf32, #tpu.memory_space<hbm>>
    tpu.wait_indirect_dma semaphore(%arg17 : memref<!tpu.dma_semaphore, #tpu.memory_space<semaphore_mem>>) src(%dma_wait3A_135 : memref<100000x128xf32, #tpu.memory_space<hbm>>) dst(%dma_wait3A_129 : memref<128x128xf32, #tpu.memory_space<vmem>>)
    %dma_wait3A_136 = arith.constant 1 : i32
    %dma_wait3A_137 = arith.constant 128 : i32
    %dma_wait3A_138 = arith.constant 0 : i32
    %dma_wait3A_139 = tpu.memref_slice %arg13[%dma_wait3A_137, %dma_wait3A_138] : memref<256x128xf32, #tpu.memory_space<vmem>> -> memref<128x128xf32, #tpu.memory_space<vmem>>
    %dma_wait3A_140 = arith.constant 0 : i32
    %dma_wait3A_141 = tpu.memref_slice %arg11[%dma_wait3A_136, %dma_wait3A_140] : memref<4x128xi32, #tpu.memory_space<vmem>> -> memref<1x128xi32, #tpu.memory_space<vmem>>
    %dma_wait3A_142 = tpu.memref_squeeze %dma_wait3A_141 : memref<1x128xi32, #tpu.memory_space<vmem>> -> memref<128xi32, #tpu.memory_space<vmem>>
    %dma_wait3A_143 = arith.constant 0 : i32
    %dma_wait3A_144 = arith.constant 0 : i32
    %dma_wait3A_145 = tpu.memref_slice %arg4[%dma_wait3A_143, %dma_wait3A_144] : memref<100000x128xf32, #tpu.memory_space<hbm>> -> memref<100000x128xf32, #tpu.memory_space<hbm>>
    tpu.wait_indirect_dma semaphore(%arg18 : memref<!tpu.dma_semaphore, #tpu.memory_space<semaphore_mem>>) src(%dma_wait3A_145 : memref<100000x128xf32, #tpu.memory_space<hbm>>) dst(%dma_wait3A_139 : memref<128x128xf32, #tpu.memory_space<vmem>>)
    %scan3A = arith.constant 0 : i32
    %scan3A_146 = arith.constant 256 : i32
    %scan3A_147 = arith.addi %scan3A, %scan3A_146 : i32
    %scan3A_148 = arith.constant 1 : i32
    %scan3A_149:4 = scf.for %scan3A_307 = %scan3A to %scan3A_147 step %scan3A_148 iter_args(%scan3A_308 = %broadcast_in_dim3A_66, %scan3A_309 = %broadcast_in_dim3A_66, %scan3A_310 = %broadcast_in_dim3A_66, %scan3A_311 = %broadcast_in_dim3A_66) -> (vector<16xf32>, vector<16xf32>, vector<16xf32>, vector<16xf32>)  : i32 {
      %get3A = arith.index_cast %scan3A_307 : i32 to index
      %get3A_312 = arith.constant 0 : index
      %get3A_313 = tpu.vector_load %arg12[%get3A, %get3A_312] {strides = array<i32>} : memref<256x128xf32, #tpu.memory_space<vmem>>, vector<1x16xf32>,
      %get3A_314 = vector.shape_cast %get3A_313 : vector<1x16xf32> to vector<16xf32>
      %get3A_315 = arith.index_cast %scan3A_307 : i32 to index
      %get3A_316 = arith.constant 64 : index
      %get3A_317 = tpu.vector_load %arg13[%get3A_315, %get3A_316] {strides = array<i32>} : memref<256x128xf32, #tpu.memory_space<vmem>>, vector<1x16xf32>,
      %get3A_318 = vector.shape_cast %get3A_317 : vector<1x16xf32> to vector<16xf32>
      %mul3A_319 = arith.mulf %get3A_314, %get3A_318 : vector<16xf32>
      %add3A_320 = arith.addf %scan3A_308, %mul3A_319 : vector<16xf32>
      %get3A_321 = arith.index_cast %scan3A_307 : i32 to index
      %get3A_322 = arith.constant 16 : index
      %get3A_323 = tpu.vector_load %arg12[%get3A_321, %get3A_322] {strides = array<i32>} : memref<256x128xf32, #tpu.memory_space<vmem>>, vector<1x16xf32>,
      %get3A_324 = vector.shape_cast %get3A_323 : vector<1x16xf32> to vector<16xf32>
      %get3A_325 = arith.index_cast %scan3A_307 : i32 to index
      %get3A_326 = arith.constant 80 : index
      %get3A_327 = tpu.vector_load %arg13[%get3A_325, %get3A_326] {strides = array<i32>} : memref<256x128xf32, #tpu.memory_space<vmem>>, vector<1x16xf32>,
      %get3A_328 = vector.shape_cast %get3A_327 : vector<1x16xf32> to vector<16xf32>
      %mul3A_329 = arith.mulf %get3A_324, %get3A_328 : vector<16xf32>
      %add3A_330 = arith.addf %scan3A_309, %mul3A_329 : vector<16xf32>
      %get3A_331 = arith.index_cast %scan3A_307 : i32 to index
      %get3A_332 = arith.constant 32 : index
      %get3A_333 = tpu.vector_load %arg12[%get3A_331, %get3A_332] {strides = array<i32>} : memref<256x128xf32, #tpu.memory_space<vmem>>, vector<1x16xf32>,
      %get3A_334 = vector.shape_cast %get3A_333 : vector<1x16xf32> to vector<16xf32>
      %get3A_335 = arith.index_cast %scan3A_307 : i32 to index
      %get3A_336 = arith.constant 96 : index
      %get3A_337 = tpu.vector_load %arg13[%get3A_335, %get3A_336] {strides = array<i32>} : memref<256x128xf32, #tpu.memory_space<vmem>>, vector<1x16xf32>,
      %get3A_338 = vector.shape_cast %get3A_337 : vector<1x16xf32> to vector<16xf32>
      %mul3A_339 = arith.mulf %get3A_334, %get3A_338 : vector<16xf32>
      %add3A_340 = arith.addf %scan3A_310, %mul3A_339 : vector<16xf32>
      %get3A_341 = arith.index_cast %scan3A_307 : i32 to index
      %get3A_342 = arith.constant 48 : index
      %get3A_343 = tpu.vector_load %arg12[%get3A_341, %get3A_342] {strides = array<i32>} : memref<256x128xf32, #tpu.memory_space<vmem>>, vector<1x16xf32>,
      %get3A_344 = vector.shape_cast %get3A_343 : vector<1x16xf32> to vector<16xf32>
      %get3A_345 = arith.index_cast %scan3A_307 : i32 to index
      %get3A_346 = arith.constant 112 : index
      %get3A_347 = tpu.vector_load %arg13[%get3A_345, %get3A_346] {strides = array<i32>} : memref<256x128xf32, #tpu.memory_space<vmem>>, vector<1x16xf32>,
      %get3A_348 = vector.shape_cast %get3A_347 : vector<1x16xf32> to vector<16xf32>
      %mul3A_349 = arith.mulf %get3A_344, %get3A_348 : vector<16xf32>
      %add3A_350 = arith.addf %scan3A_311, %mul3A_349 : vector<16xf32>
      scf.yield %add3A_320, %add3A_330, %add3A_340, %add3A_350 : vector<16xf32>, vector<16xf32>, vector<16xf32>, vector<16xf32>
    }
    %scan3A_150 = arith.constant 256 : i32
    %dma_start3A_151 = arith.constant 2 : i32
    %dma_start3A_152 = arith.constant 0 : i32
    %dma_start3A_153 = arith.constant 0 : i32
    %dma_start3A_154 = tpu.memref_slice %arg12[%dma_start3A_152, %dma_start3A_153] : memref<256x128xf32, #tpu.memory_space<vmem>> -> memref<128x128xf32, #tpu.memory_space<vmem>>
    %dma_start3A_155 = arith.constant 0 : i32
    %dma_start3A_156 = tpu.memref_slice %arg10[%dma_start3A_151, %dma_start3A_155] : memref<4x128xi32, #tpu.memory_space<vmem>> -> memref<1x128xi32, #tpu.memory_space<vmem>>
    %dma_start3A_157 = tpu.memref_squeeze %dma_start3A_156 : memref<1x128xi32, #tpu.memory_space<vmem>> -> memref<128xi32, #tpu.memory_space<vmem>>
    %dma_start3A_158 = arith.constant 0 : i32
    %dma_start3A_159 = arith.constant 0 : i32
    %dma_start3A_160 = tpu.memref_slice %arg4[%dma_start3A_158, %dma_start3A_159] : memref<100000x128xf32, #tpu.memory_space<hbm>> -> memref<100000x128xf32, #tpu.memory_space<hbm>>
    tpu.enqueue_indirect_dma source(%dma_start3A_160 : memref<100000x128xf32, #tpu.memory_space<hbm>>) target(%dma_start3A_154 : memref<128x128xf32, #tpu.memory_space<vmem>>) offsets(%dma_start3A_157 : memref<128xi32, #tpu.memory_space<vmem>>) semaphore(%arg17 : memref<!tpu.dma_semaphore, #tpu.memory_space<semaphore_mem>>)
    %dma_start3A_161 = arith.constant 2 : i32
    %dma_start3A_162 = arith.constant 0 : i32
    %dma_start3A_163 = arith.constant 0 : i32
    %dma_start3A_164 = tpu.memref_slice %arg13[%dma_start3A_162, %dma_start3A_163] : memref<256x128xf32, #tpu.memory_space<vmem>> -> memref<128x128xf32, #tpu.memory_space<vmem>>
    %dma_start3A_165 = arith.constant 0 : i32
    %dma_start3A_166 = tpu.memref_slice %arg11[%dma_start3A_161, %dma_start3A_165] : memref<4x128xi32, #tpu.memory_space<vmem>> -> memref<1x128xi32, #tpu.memory_space<vmem>>
    %dma_start3A_167 = tpu.memref_squeeze %dma_start3A_166 : memref<1x128xi32, #tpu.memory_space<vmem>> -> memref<128xi32, #tpu.memory_space<vmem>>
    %dma_start3A_168 = arith.constant 0 : i32
    %dma_start3A_169 = arith.constant 0 : i32
    %dma_start3A_170 = tpu.memref_slice %arg4[%dma_start3A_168, %dma_start3A_169] : memref<100000x128xf32, #tpu.memory_space<hbm>> -> memref<100000x128xf32, #tpu.memory_space<hbm>>
    tpu.enqueue_indirect_dma source(%dma_start3A_170 : memref<100000x128xf32, #tpu.memory_space<hbm>>) target(%dma_start3A_164 : memref<128x128xf32, #tpu.memory_space<vmem>>) offsets(%dma_start3A_167 : memref<128xi32, #tpu.memory_space<vmem>>) semaphore(%arg18 : memref<!tpu.dma_semaphore, #tpu.memory_space<semaphore_mem>>)
    %dma_start3A_171 = arith.constant 3 : i32
    %dma_start3A_172 = arith.constant 128 : i32
    %dma_start3A_173 = arith.constant 0 : i32
    %dma_start3A_174 = tpu.memref_slice %arg12[%dma_start3A_172, %dma_start3A_173] : memref<256x128xf32, #tpu.memory_space<vmem>> -> memref<128x128xf32, #tpu.memory_space<vmem>>
    %dma_start3A_175 = arith.constant 0 : i32
    %dma_start3A_176 = tpu.memref_slice %arg10[%dma_start3A_171, %dma_start3A_175] : memref<4x128xi32, #tpu.memory_space<vmem>> -> memref<1x128xi32, #tpu.memory_space<vmem>>
    %dma_start3A_177 = tpu.memref_squeeze %dma_start3A_176 : memref<1x128xi32, #tpu.memory_space<vmem>> -> memref<128xi32, #tpu.memory_space<vmem>>
    %dma_start3A_178 = arith.constant 0 : i32
    %dma_start3A_179 = arith.constant 0 : i32
    %dma_start3A_180 = tpu.memref_slice %arg4[%dma_start3A_178, %dma_start3A_179] : memref<100000x128xf32, #tpu.memory_space<hbm>> -> memref<100000x128xf32, #tpu.memory_space<hbm>>
    tpu.enqueue_indirect_dma source(%dma_start3A_180 : memref<100000x128xf32, #tpu.memory_space<hbm>>) target(%dma_start3A_174 : memref<128x128xf32, #tpu.memory_space<vmem>>) offsets(%dma_start3A_177 : memref<128xi32, #tpu.memory_space<vmem>>) semaphore(%arg17 : memref<!tpu.dma_semaphore, #tpu.memory_space<semaphore_mem>>)
    %dma_start3A_181 = arith.constant 3 : i32
    %dma_start3A_182 = arith.constant 128 : i32
    %dma_start3A_183 = arith.constant 0 : i32
    %dma_start3A_184 = tpu.memref_slice %arg13[%dma_start3A_182, %dma_start3A_183] : memref<256x128xf32, #tpu.memory_space<vmem>> -> memref<128x128xf32, #tpu.memory_space<vmem>>
    %dma_start3A_185 = arith.constant 0 : i32
    %dma_start3A_186 = tpu.memref_slice %arg11[%dma_start3A_181, %dma_start3A_185] : memref<4x128xi32, #tpu.memory_space<vmem>> -> memref<1x128xi32, #tpu.memory_space<vmem>>
    %dma_start3A_187 = tpu.memref_squeeze %dma_start3A_186 : memref<1x128xi32, #tpu.memory_space<vmem>> -> memref<128xi32, #tpu.memory_space<vmem>>
    %dma_start3A_188 = arith.constant 0 : i32
    %dma_start3A_189 = arith.constant 0 : i32
    %dma_start3A_190 = tpu.memref_slice %arg4[%dma_start3A_188, %dma_start3A_189] : memref<100000x128xf32, #tpu.memory_space<hbm>> -> memref<100000x128xf32, #tpu.memory_space<hbm>>
    tpu.enqueue_indirect_dma source(%dma_start3A_190 : memref<100000x128xf32, #tpu.memory_space<hbm>>) target(%dma_start3A_184 : memref<128x128xf32, #tpu.memory_space<vmem>>) offsets(%dma_start3A_187 : memref<128xi32, #tpu.memory_space<vmem>>) semaphore(%arg18 : memref<!tpu.dma_semaphore, #tpu.memory_space<semaphore_mem>>)
    %dma_wait3A_191 = arith.constant 2 : i32
    %dma_wait3A_192 = arith.constant 0 : i32
    %dma_wait3A_193 = arith.constant 0 : i32
    %dma_wait3A_194 = tpu.memref_slice %arg12[%dma_wait3A_192, %dma_wait3A_193] : memref<256x128xf32, #tpu.memory_space<vmem>> -> memref<128x128xf32, #tpu.memory_space<vmem>>
    %dma_wait3A_195 = arith.constant 0 : i32
    %dma_wait3A_196 = tpu.memref_slice %arg10[%dma_wait3A_191, %dma_wait3A_195] : memref<4x128xi32, #tpu.memory_space<vmem>> -> memref<1x128xi32, #tpu.memory_space<vmem>>
    %dma_wait3A_197 = tpu.memref_squeeze %dma_wait3A_196 : memref<1x128xi32, #tpu.memory_space<vmem>> -> memref<128xi32, #tpu.memory_space<vmem>>
    %dma_wait3A_198 = arith.constant 0 : i32
    %dma_wait3A_199 = arith.constant 0 : i32
    %dma_wait3A_200 = tpu.memref_slice %arg4[%dma_wait3A_198, %dma_wait3A_199] : memref<100000x128xf32, #tpu.memory_space<hbm>> -> memref<100000x128xf32, #tpu.memory_space<hbm>>
    tpu.wait_indirect_dma semaphore(%arg17 : memref<!tpu.dma_semaphore, #tpu.memory_space<semaphore_mem>>) src(%dma_wait3A_200 : memref<100000x128xf32, #tpu.memory_space<hbm>>) dst(%dma_wait3A_194 : memref<128x128xf32, #tpu.memory_space<vmem>>)
    %dma_wait3A_201 = arith.constant 2 : i32
    %dma_wait3A_202 = arith.constant 0 : i32
    %dma_wait3A_203 = arith.constant 0 : i32
    %dma_wait3A_204 = tpu.memref_slice %arg13[%dma_wait3A_202, %dma_wait3A_203] : memref<256x128xf32, #tpu.memory_space<vmem>> -> memref<128x128xf32, #tpu.memory_space<vmem>>
    %dma_wait3A_205 = arith.constant 0 : i32
    %dma_wait3A_206 = tpu.memref_slice %arg11[%dma_wait3A_201, %dma_wait3A_205] : memref<4x128xi32, #tpu.memory_space<vmem>> -> memref<1x128xi32, #tpu.memory_space<vmem>>
    %dma_wait3A_207 = tpu.memref_squeeze %dma_wait3A_206 : memref<1x128xi32, #tpu.memory_space<vmem>> -> memref<128xi32, #tpu.memory_space<vmem>>
    %dma_wait3A_208 = arith.constant 0 : i32
    %dma_wait3A_209 = arith.constant 0 : i32
    %dma_wait3A_210 = tpu.memref_slice %arg4[%dma_wait3A_208, %dma_wait3A_209] : memref<100000x128xf32, #tpu.memory_space<hbm>> -> memref<100000x128xf32, #tpu.memory_space<hbm>>
    tpu.wait_indirect_dma semaphore(%arg18 : memref<!tpu.dma_semaphore, #tpu.memory_space<semaphore_mem>>) src(%dma_wait3A_210 : memref<100000x128xf32, #tpu.memory_space<hbm>>) dst(%dma_wait3A_204 : memref<128x128xf32, #tpu.memory_space<vmem>>)
    %dma_wait3A_211 = arith.constant 3 : i32
    %dma_wait3A_212 = arith.constant 128 : i32
    %dma_wait3A_213 = arith.constant 0 : i32
    %dma_wait3A_214 = tpu.memref_slice %arg12[%dma_wait3A_212, %dma_wait3A_213] : memref<256x128xf32, #tpu.memory_space<vmem>> -> memref<128x128xf32, #tpu.memory_space<vmem>>
    %dma_wait3A_215 = arith.constant 0 : i32
    %dma_wait3A_216 = tpu.memref_slice %arg10[%dma_wait3A_211, %dma_wait3A_215] : memref<4x128xi32, #tpu.memory_space<vmem>> -> memref<1x128xi32, #tpu.memory_space<vmem>>
    %dma_wait3A_217 = tpu.memref_squeeze %dma_wait3A_216 : memref<1x128xi32, #tpu.memory_space<vmem>> -> memref<128xi32, #tpu.memory_space<vmem>>
    %dma_wait3A_218 = arith.constant 0 : i32
    %dma_wait3A_219 = arith.constant 0 : i32
    %dma_wait3A_220 = tpu.memref_slice %arg4[%dma_wait3A_218, %dma_wait3A_219] : memref<100000x128xf32, #tpu.memory_space<hbm>> -> memref<100000x128xf32, #tpu.memory_space<hbm>>
    tpu.wait_indirect_dma semaphore(%arg17 : memref<!tpu.dma_semaphore, #tpu.memory_space<semaphore_mem>>) src(%dma_wait3A_220 : memref<100000x128xf32, #tpu.memory_space<hbm>>) dst(%dma_wait3A_214 : memref<128x128xf32, #tpu.memory_space<vmem>>)
    %dma_wait3A_221 = arith.constant 3 : i32
    %dma_wait3A_222 = arith.constant 128 : i32
    %dma_wait3A_223 = arith.constant 0 : i32
    %dma_wait3A_224 = tpu.memref_slice %arg13[%dma_wait3A_222, %dma_wait3A_223] : memref<256x128xf32, #tpu.memory_space<vmem>> -> memref<128x128xf32, #tpu.memory_space<vmem>>
    %dma_wait3A_225 = arith.constant 0 : i32
    %dma_wait3A_226 = tpu.memref_slice %arg11[%dma_wait3A_221, %dma_wait3A_225] : memref<4x128xi32, #tpu.memory_space<vmem>> -> memref<1x128xi32, #tpu.memory_space<vmem>>
    %dma_wait3A_227 = tpu.memref_squeeze %dma_wait3A_226 : memref<1x128xi32, #tpu.memory_space<vmem>> -> memref<128xi32, #tpu.memory_space<vmem>>
    %dma_wait3A_228 = arith.constant 0 : i32
    %dma_wait3A_229 = arith.constant 0 : i32
    %dma_wait3A_230 = tpu.memref_slice %arg4[%dma_wait3A_228, %dma_wait3A_229] : memref<100000x128xf32, #tpu.memory_space<hbm>> -> memref<100000x128xf32, #tpu.memory_space<hbm>>
    tpu.wait_indirect_dma semaphore(%arg18 : memref<!tpu.dma_semaphore, #tpu.memory_space<semaphore_mem>>) src(%dma_wait3A_230 : memref<100000x128xf32, #tpu.memory_space<hbm>>) dst(%dma_wait3A_224 : memref<128x128xf32, #tpu.memory_space<vmem>>)
    %scan3A_231 = arith.constant 0 : i32
    %scan3A_232 = arith.constant 256 : i32
    %scan3A_233 = arith.addi %scan3A_231, %scan3A_232 : i32
    %scan3A_234 = arith.constant 1 : i32
    %scan3A_235:4 = scf.for %scan3A_307 = %scan3A_231 to %scan3A_233 step %scan3A_234 iter_args(%scan3A_308 = %scan3A_149#0, %scan3A_309 = %scan3A_149#1, %scan3A_310 = %scan3A_149#2, %scan3A_311 = %scan3A_149#3) -> (vector<16xf32>, vector<16xf32>, vector<16xf32>, vector<16xf32>)  : i32 {
      %get3A = arith.index_cast %scan3A_307 : i32 to index
      %get3A_312 = arith.constant 0 : index
      %get3A_313 = tpu.vector_load %arg12[%get3A, %get3A_312] {strides = array<i32>} : memref<256x128xf32, #tpu.memory_space<vmem>>, vector<1x16xf32>,
      %get3A_314 = vector.shape_cast %get3A_313 : vector<1x16xf32> to vector<16xf32>
      %get3A_315 = arith.index_cast %scan3A_307 : i32 to index
      %get3A_316 = arith.constant 64 : index
      %get3A_317 = tpu.vector_load %arg13[%get3A_315, %get3A_316] {strides = array<i32>} : memref<256x128xf32, #tpu.memory_space<vmem>>, vector<1x16xf32>,
      %get3A_318 = vector.shape_cast %get3A_317 : vector<1x16xf32> to vector<16xf32>
      %mul3A_319 = arith.mulf %get3A_314, %get3A_318 : vector<16xf32>
      %add3A_320 = arith.addf %scan3A_308, %mul3A_319 : vector<16xf32>
      %get3A_321 = arith.index_cast %scan3A_307 : i32 to index
      %get3A_322 = arith.constant 16 : index
      %get3A_323 = tpu.vector_load %arg12[%get3A_321, %get3A_322] {strides = array<i32>} : memref<256x128xf32, #tpu.memory_space<vmem>>, vector<1x16xf32>,
      %get3A_324 = vector.shape_cast %get3A_323 : vector<1x16xf32> to vector<16xf32>
      %get3A_325 = arith.index_cast %scan3A_307 : i32 to index
      %get3A_326 = arith.constant 80 : index
      %get3A_327 = tpu.vector_load %arg13[%get3A_325, %get3A_326] {strides = array<i32>} : memref<256x128xf32, #tpu.memory_space<vmem>>, vector<1x16xf32>,
      %get3A_328 = vector.shape_cast %get3A_327 : vector<1x16xf32> to vector<16xf32>
      %mul3A_329 = arith.mulf %get3A_324, %get3A_328 : vector<16xf32>
      %add3A_330 = arith.addf %scan3A_309, %mul3A_329 : vector<16xf32>
      %get3A_331 = arith.index_cast %scan3A_307 : i32 to index
      %get3A_332 = arith.constant 32 : index
      %get3A_333 = tpu.vector_load %arg12[%get3A_331, %get3A_332] {strides = array<i32>} : memref<256x128xf32, #tpu.memory_space<vmem>>, vector<1x16xf32>,
      %get3A_334 = vector.shape_cast %get3A_333 : vector<1x16xf32> to vector<16xf32>
      %get3A_335 = arith.index_cast %scan3A_307 : i32 to index
      %get3A_336 = arith.constant 96 : index
      %get3A_337 = tpu.vector_load %arg13[%get3A_335, %get3A_336] {strides = array<i32>} : memref<256x128xf32, #tpu.memory_space<vmem>>, vector<1x16xf32>,
      %get3A_338 = vector.shape_cast %get3A_337 : vector<1x16xf32> to vector<16xf32>
      %mul3A_339 = arith.mulf %get3A_334, %get3A_338 : vector<16xf32>
      %add3A_340 = arith.addf %scan3A_310, %mul3A_339 : vector<16xf32>
      %get3A_341 = arith.index_cast %scan3A_307 : i32 to index
      %get3A_342 = arith.constant 48 : index
      %get3A_343 = tpu.vector_load %arg12[%get3A_341, %get3A_342] {strides = array<i32>} : memref<256x128xf32, #tpu.memory_space<vmem>>, vector<1x16xf32>,
      %get3A_344 = vector.shape_cast %get3A_343 : vector<1x16xf32> to vector<16xf32>
      %get3A_345 = arith.index_cast %scan3A_307 : i32 to index
      %get3A_346 = arith.constant 112 : index
      %get3A_347 = tpu.vector_load %arg13[%get3A_345, %get3A_346] {strides = array<i32>} : memref<256x128xf32, #tpu.memory_space<vmem>>, vector<1x16xf32>,
      %get3A_348 = vector.shape_cast %get3A_347 : vector<1x16xf32> to vector<16xf32>
      %mul3A_349 = arith.mulf %get3A_344, %get3A_348 : vector<16xf32>
      %add3A_350 = arith.addf %scan3A_311, %mul3A_349 : vector<16xf32>
      scf.yield %add3A_320, %add3A_330, %add3A_340, %add3A_350 : vector<16xf32>, vector<16xf32>, vector<16xf32>, vector<16xf32>
    }
    %scan3A_236 = arith.constant 256 : i32
    %add3A_237 = arith.addf %scan3A_235#0, %scan3A_235#1 : vector<16xf32>
    %add3A_238 = arith.addf %scan3A_235#2, %scan3A_235#3 : vector<16xf32>
    %add3A_239 = arith.addf %add3A_237, %add3A_238 : vector<16xf32>
    %swap3A = arith.constant 0 : index
    %swap3A_240 = tpu.vector_load %arg16[%swap3A] {strides = array<i32>} : memref<16xf32, #tpu.memory_space<vmem>>, vector<16xf32>,
    %swap3A_241 = vector.shape_cast %swap3A_240 : vector<16xf32> to vector<16xf32>
    %swap3A_242 = vector.shape_cast %add3A_239 : vector<16xf32> to vector<16xf32>
    tpu.vector_store %arg16[%swap3A], %swap3A_242 {strides = array<i32>} : memref<16xf32, #tpu.memory_space<vmem>>, vector<16xf32>,
    "tpu.region"() ({
      %run_scoped3A = tpu.sem_alloc : memref<!tpu.dma_semaphore, #tpu.memory_space<semaphore_mem>>
      %dma_start3A_307 = arith.constant 0 : i32
      %dma_start3A_308 = tpu.memref_slice %arg7[%add3A, %dma_start3A_307] : memref<32x16xf32, #tpu.memory_space<hbm>> -> memref<1x16xf32, #tpu.memory_space<hbm>>
      %dma_start3A_309 = tpu.memref_squeeze %dma_start3A_308 : memref<1x16xf32, #tpu.memory_space<hbm>> -> memref<16xf32, #tpu.memory_space<hbm>>
      %dma_start3A_310 = arith.constant 0 : i32
      %dma_start3A_311 = tpu.memref_slice %arg7[%add3A, %dma_start3A_310] : memref<32x16xf32, #tpu.memory_space<hbm>> -> memref<1x16xf32, #tpu.memory_space<hbm>>
      %dma_start3A_312 = tpu.memref_squeeze %dma_start3A_311 : memref<1x16xf32, #tpu.memory_space<hbm>> -> memref<16xf32, #tpu.memory_space<hbm>>
      tpu.enqueue_dma source(%arg16 : memref<16xf32, #tpu.memory_space<vmem>>) target(%dma_start3A_312 : memref<16xf32, #tpu.memory_space<hbm>>) target_semaphore(%run_scoped3A : memref<!tpu.dma_semaphore, #tpu.memory_space<semaphore_mem>>)
      %dma_wait3A_313 = arith.constant 0 : i32
      %dma_wait3A_314 = tpu.memref_slice %arg7[%add3A, %dma_wait3A_313] : memref<32x16xf32, #tpu.memory_space<hbm>> -> memref<1x16xf32, #tpu.memory_space<hbm>>
      %dma_wait3A_315 = tpu.memref_squeeze %dma_wait3A_314 : memref<1x16xf32, #tpu.memory_space<hbm>> -> memref<16xf32, #tpu.memory_space<hbm>>
      %dma_wait3A_316 = arith.constant 0 : i32
      %dma_wait3A_317 = tpu.memref_slice %arg7[%add3A, %dma_wait3A_316] : memref<32x16xf32, #tpu.memory_space<hbm>> -> memref<1x16xf32, #tpu.memory_space<hbm>>
      %dma_wait3A_318 = tpu.memref_squeeze %dma_wait3A_317 : memref<1x16xf32, #tpu.memory_space<hbm>> -> memref<16xf32, #tpu.memory_space<hbm>>
      tpu.wait_dma2 semaphore(%run_scoped3A : memref<!tpu.dma_semaphore, #tpu.memory_space<semaphore_mem>>) src(%arg16 : memref<16xf32, #tpu.memory_space<vmem>>) dst(%dma_wait3A_318 : memref<16xf32, #tpu.memory_space<hbm>>)
      tpu.yield
    }) : () -> ()
    %dma_wait3A_243 = arith.constant 0 : i32
    %dma_wait3A_244 = arith.constant 0 : i32
    %dma_wait3A_245 = tpu.memref_slice %arg14[%dma_wait3A_244] : memref<512xf32, #tpu.memory_space<vmem>> -> memref<128xf32, #tpu.memory_space<vmem>>
    %dma_wait3A_246 = arith.constant 0 : i32
    %dma_wait3A_247 = tpu.memref_slice %arg10[%dma_wait3A_243, %dma_wait3A_246] : memref<4x128xi32, #tpu.memory_space<vmem>> -> memref<1x128xi32, #tpu.memory_space<vmem>>
    %dma_wait3A_248 = tpu.memref_squeeze %dma_wait3A_247 : memref<1x128xi32, #tpu.memory_space<vmem>> -> memref<128xi32, #tpu.memory_space<vmem>>
    %dma_wait3A_249 = arith.constant 0 : i32
    %dma_wait3A_250 = tpu.memref_slice %arg5[%dma_wait3A_249] : memref<100000xf32, #tpu.memory_space<hbm>> -> memref<100000xf32, #tpu.memory_space<hbm>>
    tpu.wait_indirect_dma semaphore(%arg19 : memref<!tpu.dma_semaphore, #tpu.memory_space<semaphore_mem>>) src(%dma_wait3A_250 : memref<100000xf32, #tpu.memory_space<hbm>>) dst(%dma_wait3A_245 : memref<128xf32, #tpu.memory_space<vmem>>)
    %dma_wait3A_251 = arith.constant 0 : i32
    %dma_wait3A_252 = arith.constant 0 : i32
    %dma_wait3A_253 = tpu.memref_slice %arg15[%dma_wait3A_252] : memref<512xf32, #tpu.memory_space<vmem>> -> memref<128xf32, #tpu.memory_space<vmem>>
    %dma_wait3A_254 = arith.constant 0 : i32
    %dma_wait3A_255 = tpu.memref_slice %arg11[%dma_wait3A_251, %dma_wait3A_254] : memref<4x128xi32, #tpu.memory_space<vmem>> -> memref<1x128xi32, #tpu.memory_space<vmem>>
    %dma_wait3A_256 = tpu.memref_squeeze %dma_wait3A_255 : memref<1x128xi32, #tpu.memory_space<vmem>> -> memref<128xi32, #tpu.memory_space<vmem>>
    %dma_wait3A_257 = arith.constant 0 : i32
    %dma_wait3A_258 = tpu.memref_slice %arg6[%dma_wait3A_257] : memref<100000xf32, #tpu.memory_space<hbm>> -> memref<100000xf32, #tpu.memory_space<hbm>>
    tpu.wait_indirect_dma semaphore(%arg20 : memref<!tpu.dma_semaphore, #tpu.memory_space<semaphore_mem>>) src(%dma_wait3A_258 : memref<100000xf32, #tpu.memory_space<hbm>>) dst(%dma_wait3A_253 : memref<128xf32, #tpu.memory_space<vmem>>)
    %dma_wait3A_259 = arith.constant 1 : i32
    %dma_wait3A_260 = arith.constant 128 : i32
    %dma_wait3A_261 = tpu.memref_slice %arg14[%dma_wait3A_260] : memref<512xf32, #tpu.memory_space<vmem>> -> memref<128xf32, #tpu.memory_space<vmem>>
    %dma_wait3A_262 = arith.constant 0 : i32
    %dma_wait3A_263 = tpu.memref_slice %arg10[%dma_wait3A_259, %dma_wait3A_262] : memref<4x128xi32, #tpu.memory_space<vmem>> -> memref<1x128xi32, #tpu.memory_space<vmem>>
    %dma_wait3A_264 = tpu.memref_squeeze %dma_wait3A_263 : memref<1x128xi32, #tpu.memory_space<vmem>> -> memref<128xi32, #tpu.memory_space<vmem>>
    %dma_wait3A_265 = arith.constant 0 : i32
    %dma_wait3A_266 = tpu.memref_slice %arg5[%dma_wait3A_265] : memref<100000xf32, #tpu.memory_space<hbm>> -> memref<100000xf32, #tpu.memory_space<hbm>>
    tpu.wait_indirect_dma semaphore(%arg19 : memref<!tpu.dma_semaphore, #tpu.memory_space<semaphore_mem>>) src(%dma_wait3A_266 : memref<100000xf32, #tpu.memory_space<hbm>>) dst(%dma_wait3A_261 : memref<128xf32, #tpu.memory_space<vmem>>)
    %dma_wait3A_267 = arith.constant 1 : i32
    %dma_wait3A_268 = arith.constant 128 : i32
    %dma_wait3A_269 = tpu.memref_slice %arg15[%dma_wait3A_268] : memref<512xf32, #tpu.memory_space<vmem>> -> memref<128xf32, #tpu.memory_space<vmem>>
    %dma_wait3A_270 = arith.constant 0 : i32
    %dma_wait3A_271 = tpu.memref_slice %arg11[%dma_wait3A_267, %dma_wait3A_270] : memref<4x128xi32, #tpu.memory_space<vmem>> -> memref<1x128xi32, #tpu.memory_space<vmem>>
    %dma_wait3A_272 = tpu.memref_squeeze %dma_wait3A_271 : memref<1x128xi32, #tpu.memory_space<vmem>> -> memref<128xi32, #tpu.memory_space<vmem>>
    %dma_wait3A_273 = arith.constant 0 : i32
    %dma_wait3A_274 = tpu.memref_slice %arg6[%dma_wait3A_273] : memref<100000xf32, #tpu.memory_space<hbm>> -> memref<100000xf32, #tpu.memory_space<hbm>>
    tpu.wait_indirect_dma semaphore(%arg20 : memref<!tpu.dma_semaphore, #tpu.memory_space<semaphore_mem>>) src(%dma_wait3A_274 : memref<100000xf32, #tpu.memory_space<hbm>>) dst(%dma_wait3A_269 : memref<128xf32, #tpu.memory_space<vmem>>)
    %dma_wait3A_275 = arith.constant 2 : i32
    %dma_wait3A_276 = arith.constant 256 : i32
    %dma_wait3A_277 = tpu.memref_slice %arg14[%dma_wait3A_276] : memref<512xf32, #tpu.memory_space<vmem>> -> memref<128xf32, #tpu.memory_space<vmem>>
    %dma_wait3A_278 = arith.constant 0 : i32
    %dma_wait3A_279 = tpu.memref_slice %arg10[%dma_wait3A_275, %dma_wait3A_278] : memref<4x128xi32, #tpu.memory_space<vmem>> -> memref<1x128xi32, #tpu.memory_space<vmem>>
    %dma_wait3A_280 = tpu.memref_squeeze %dma_wait3A_279 : memref<1x128xi32, #tpu.memory_space<vmem>> -> memref<128xi32, #tpu.memory_space<vmem>>
    %dma_wait3A_281 = arith.constant 0 : i32
    %dma_wait3A_282 = tpu.memref_slice %arg5[%dma_wait3A_281] : memref<100000xf32, #tpu.memory_space<hbm>> -> memref<100000xf32, #tpu.memory_space<hbm>>
    tpu.wait_indirect_dma semaphore(%arg19 : memref<!tpu.dma_semaphore, #tpu.memory_space<semaphore_mem>>) src(%dma_wait3A_282 : memref<100000xf32, #tpu.memory_space<hbm>>) dst(%dma_wait3A_277 : memref<128xf32, #tpu.memory_space<vmem>>)
    %dma_wait3A_283 = arith.constant 2 : i32
    %dma_wait3A_284 = arith.constant 256 : i32
    %dma_wait3A_285 = tpu.memref_slice %arg15[%dma_wait3A_284] : memref<512xf32, #tpu.memory_space<vmem>> -> memref<128xf32, #tpu.memory_space<vmem>>
    %dma_wait3A_286 = arith.constant 0 : i32
    %dma_wait3A_287 = tpu.memref_slice %arg11[%dma_wait3A_283, %dma_wait3A_286] : memref<4x128xi32, #tpu.memory_space<vmem>> -> memref<1x128xi32, #tpu.memory_space<vmem>>
    %dma_wait3A_288 = tpu.memref_squeeze %dma_wait3A_287 : memref<1x128xi32, #tpu.memory_space<vmem>> -> memref<128xi32, #tpu.memory_space<vmem>>
    %dma_wait3A_289 = arith.constant 0 : i32
    %dma_wait3A_290 = tpu.memref_slice %arg6[%dma_wait3A_289] : memref<100000xf32, #tpu.memory_space<hbm>> -> memref<100000xf32, #tpu.memory_space<hbm>>
    tpu.wait_indirect_dma semaphore(%arg20 : memref<!tpu.dma_semaphore, #tpu.memory_space<semaphore_mem>>) src(%dma_wait3A_290 : memref<100000xf32, #tpu.memory_space<hbm>>) dst(%dma_wait3A_285 : memref<128xf32, #tpu.memory_space<vmem>>)
    %dma_wait3A_291 = arith.constant 3 : i32
    %dma_wait3A_292 = arith.constant 384 : i32
    %dma_wait3A_293 = tpu.memref_slice %arg14[%dma_wait3A_292] : memref<512xf32, #tpu.memory_space<vmem>> -> memref<128xf32, #tpu.memory_space<vmem>>
    %dma_wait3A_294 = arith.constant 0 : i32
    %dma_wait3A_295 = tpu.memref_slice %arg10[%dma_wait3A_291, %dma_wait3A_294] : memref<4x128xi32, #tpu.memory_space<vmem>> -> memref<1x128xi32, #tpu.memory_space<vmem>>
    %dma_wait3A_296 = tpu.memref_squeeze %dma_wait3A_295 : memref<1x128xi32, #tpu.memory_space<vmem>> -> memref<128xi32, #tpu.memory_space<vmem>>
    %dma_wait3A_297 = arith.constant 0 : i32
    %dma_wait3A_298 = tpu.memref_slice %arg5[%dma_wait3A_297] : memref<100000xf32, #tpu.memory_space<hbm>> -> memref<100000xf32, #tpu.memory_space<hbm>>
    tpu.wait_indirect_dma semaphore(%arg19 : memref<!tpu.dma_semaphore, #tpu.memory_space<semaphore_mem>>) src(%dma_wait3A_298 : memref<100000xf32, #tpu.memory_space<hbm>>) dst(%dma_wait3A_293 : memref<128xf32, #tpu.memory_space<vmem>>)
    %dma_wait3A_299 = arith.constant 3 : i32
    %dma_wait3A_300 = arith.constant 384 : i32
    %dma_wait3A_301 = tpu.memref_slice %arg15[%dma_wait3A_300] : memref<512xf32, #tpu.memory_space<vmem>> -> memref<128xf32, #tpu.memory_space<vmem>>
    %dma_wait3A_302 = arith.constant 0 : i32
    %dma_wait3A_303 = tpu.memref_slice %arg11[%dma_wait3A_299, %dma_wait3A_302] : memref<4x128xi32, #tpu.memory_space<vmem>> -> memref<1x128xi32, #tpu.memory_space<vmem>>
    %dma_wait3A_304 = tpu.memref_squeeze %dma_wait3A_303 : memref<1x128xi32, #tpu.memory_space<vmem>> -> memref<128xi32, #tpu.memory_space<vmem>>
    %dma_wait3A_305 = arith.constant 0 : i32
    %dma_wait3A_306 = tpu.memref_slice %arg6[%dma_wait3A_305] : memref<100000xf32, #tpu.memory_space<hbm>> -> memref<100000xf32, #tpu.memory_space<hbm>>
    tpu.wait_indirect_dma semaphore(%arg20 : memref<!tpu.dma_semaphore, #tpu.memory_space<semaphore_mem>>) src(%dma_wait3A_306 : memref<100000xf32, #tpu.memory_space<hbm>>) dst(%dma_wait3A_301 : memref<128xf32, #tpu.memory_space<vmem>>)
    "tpu.region"() ({
      %run_scoped3A = tpu.sem_alloc : memref<!tpu.dma_semaphore, #tpu.memory_space<semaphore_mem>>
      %dma_start3A_307 = tpu.memref_slice %arg8[%mul3A_2] : memref<16384xf32, #tpu.memory_space<hbm>> -> memref<512xf32, #tpu.memory_space<hbm>>
      %dma_start3A_308 = tpu.memref_slice %arg8[%mul3A_2] : memref<16384xf32, #tpu.memory_space<hbm>> -> memref<512xf32, #tpu.memory_space<hbm>>
      tpu.enqueue_dma source(%arg14 : memref<512xf32, #tpu.memory_space<vmem>>) target(%dma_start3A_308 : memref<512xf32, #tpu.memory_space<hbm>>) target_semaphore(%run_scoped3A : memref<!tpu.dma_semaphore, #tpu.memory_space<semaphore_mem>>)
      %dma_wait3A_309 = tpu.memref_slice %arg8[%mul3A_2] : memref<16384xf32, #tpu.memory_space<hbm>> -> memref<512xf32, #tpu.memory_space<hbm>>
      %dma_wait3A_310 = tpu.memref_slice %arg8[%mul3A_2] : memref<16384xf32, #tpu.memory_space<hbm>> -> memref<512xf32, #tpu.memory_space<hbm>>
      tpu.wait_dma2 semaphore(%run_scoped3A : memref<!tpu.dma_semaphore, #tpu.memory_space<semaphore_mem>>) src(%arg14 : memref<512xf32, #tpu.memory_space<vmem>>) dst(%dma_wait3A_310 : memref<512xf32, #tpu.memory_space<hbm>>)
      tpu.yield
    }) : () -> ()
    "tpu.region"() ({
      %run_scoped3A = tpu.sem_alloc : memref<!tpu.dma_semaphore, #tpu.memory_space<semaphore_mem>>
      %dma_start3A_307 = tpu.memref_slice %arg9[%mul3A_2] : memref<16384xf32, #tpu.memory_space<hbm>> -> memref<512xf32, #tpu.memory_space<hbm>>
      %dma_start3A_308 = tpu.memref_slice %arg9[%mul3A_2] : memref<16384xf32, #tpu.memory_space<hbm>> -> memref<512xf32, #tpu.memory_space<hbm>>
      tpu.enqueue_dma source(%arg15 : memref<512xf32, #tpu.memory_space<vmem>>) target(%dma_start3A_308 : memref<512xf32, #tpu.memory_space<hbm>>) target_semaphore(%run_scoped3A : memref<!tpu.dma_semaphore, #tpu.memory_space<semaphore_mem>>)
      %dma_wait3A_309 = tpu.memref_slice %arg9[%mul3A_2] : memref<16384xf32, #tpu.memory_space<hbm>> -> memref<512xf32, #tpu.memory_space<hbm>>
      %dma_wait3A_310 = tpu.memref_slice %arg9[%mul3A_2] : memref<16384xf32, #tpu.memory_space<hbm>> -> memref<512xf32, #tpu.memory_space<hbm>>
      tpu.wait_dma2 semaphore(%run_scoped3A : memref<!tpu.dma_semaphore, #tpu.memory_space<semaphore_mem>>) src(%arg15 : memref<512xf32, #tpu.memory_space<vmem>>) dst(%dma_wait3A_310 : memref<512xf32, #tpu.memory_space<hbm>>)
      tpu.yield
    }) : () -> ()
    return
  }
}

module attributes {stable_mosaic.version = 14 : i64} {
  func.func @body(%arg0: memref<32x16xf32, #tpu.memory_space<vmem>>, %arg1: memref<128x128xf32, #tpu.memory_space<vmem>>, %arg2: memref<128x128xf32, #tpu.memory_space<vmem>>, %arg3: memref<128x128xf32, #tpu.memory_space<vmem>>) attributes {dimension_semantics = [], scalar_prefetch = 0 : i64, scratch_operands = 0 : i64, tpu.core_type = #tpu.core_type<tc>} {
    %get3A = arith.constant 0 : index
    %get3A_0 = arith.constant 0 : index
    %get3A_1 = vector.load %arg0[%get3A, %get3A_0] : memref<32x16xf32, #tpu.memory_space<vmem>>, vector<32x16xf32>
    %reduce_sum3A = vector.shape_cast %get3A_1 : vector<32x16xf32> to vector<1x32x16xf32>
    %reduce_sum3A_2 = arith.constant dense<0.000000e+00> : vector<1xf32>
    %reduce_sum3A_3 = vector.multi_reduction <add>, %reduce_sum3A, %reduce_sum3A_2 [1, 2] : vector<1x32x16xf32> to vector<1xf32>
    %reduce_sum3A_4 = vector.shape_cast %reduce_sum3A_3 : vector<1xf32> to vector<1x1x1xf32>
    %reduce_sum3A_5 = vector.extract %reduce_sum3A_4[0, 0, 0] : f32 from vector<1x1x1xf32>
    %get3A_6 = arith.constant 0 : index
    %get3A_7 = arith.constant 0 : index
    %get3A_8 = vector.load %arg1[%get3A_6, %get3A_7] : memref<128x128xf32, #tpu.memory_space<vmem>>, vector<128x128xf32>
    %add3A = vector.broadcast %reduce_sum3A_5 : f32 to vector<128x128xf32>
    %add3A_9 = arith.addf %add3A, %get3A_8 : vector<128x128xf32>
    %get3A_10 = arith.constant 0 : index
    %get3A_11 = arith.constant 0 : index
    %get3A_12 = vector.load %arg2[%get3A_10, %get3A_11] : memref<128x128xf32, #tpu.memory_space<vmem>>, vector<128x128xf32>
    %add3A_13 = arith.addf %add3A_9, %get3A_12 : vector<128x128xf32>
    %logistic3A = arith.negf %add3A_13 : vector<128x128xf32>
    %logistic3A_14 = math.exp %logistic3A : vector<128x128xf32>
    %logistic3A_15 = arith.constant 1.000000e+00 : f32
    %logistic3A_16 = vector.broadcast %logistic3A_15 : f32 to vector<128x128xf32>
    %logistic3A_17 = arith.addf %logistic3A_16, %logistic3A_14 : vector<128x128xf32>
    %logistic3A_18 = arith.divf %logistic3A_16, %logistic3A_17 : vector<128x128xf32>
    %swap3A = arith.constant 0 : index
    %swap3A_19 = arith.constant 0 : index
    %swap3A_20 = vector.load %arg3[%swap3A, %swap3A_19] : memref<128x128xf32, #tpu.memory_space<vmem>>, vector<128x128xf32>
    tpu.vector_store %arg3[%swap3A, %swap3A_19], %logistic3A_18 {strides = array<i32>} : memref<128x128xf32, #tpu.memory_space<vmem>>, vector<128x128xf32>,
    return
  }
}

</mosaic_0001>

<sc_bundles>
// kernel: kernel.4.cloned.1.call-start
scs
__scs_entry_jumppad:
0x0: {  	(pc) =	sbr.rel $0x88, $3  }
0x1: {  	(tag) =	ssettag $0x0;
	lr =	simm.s32 $0x1  }
0x2: {  	[smem:$0x3F9C] =	sst lr;
	_ =	strace $0xD0000000  }
0x3: {  	_ = 	snop  }
0x4: {  	_ = 	snop  }
0x5: {  	_ = 	snop  }
0x6: {  	_ = 	snop  }
0x7: {  	_ = 	snop  }
__scs_overlays_trampoline_lowered:
0x8: {  	[smem:$0x3FAB] =	sst s0  }
0x9: {  	[smem:$0x3FAC] =	sst s1  }
0xa: {  	[smem:$0x3FAD] =	sst s2  }
0xb: {  	[smem:$0x3FAE] =	sst s3  }
0xc: {  	[smem:$0x3FAF] =	sst s4  }
0xd: {  	[smem:$0x3FB0] =	sst s5  }
0xe: {  	[smem:$0x3FB1] =	sst s6  }
0xf: {  	[smem:$0x3FB2] =	sst s7  }
0x10: {  	[smem:$0x3FB3] =	sst s8  }
0x11: {  	[smem:$0x3FB4] =	sst s9;
	s0 =	simm.s32 @!p0 $0x0  }
0x12: {  	s1 =	sld [smem:$0x3F9A];
	s0 =	simm.s32 @p0 $0x1  }
0x13: {  	[smem:$0x3FB5] =	sst s0;
	s0 =	simm.s32 @!p1 $0x0  }
0x14: {  	s2 =	sld [smem:$0x3F99];
	s0 =	simm.s32 @p1 $0x1  }
0x15: {  	[smem:$0x3FB6] =	sst s0;
	s0 =	simm.s32 @!p2 $0x0  }
0x16: {  	s3 =	sld [smem:$0x3FDB];
	s0 =	simm.s32 @p2 $0x1  }
0x17: {  	s4 =	simm.s32 $0x1BF5;
	[smem:$0x3FB8] =	sst s0  }
0x18: {  	s0 =	sld [smem:$0x3F9B];
	_ =	swait.ge [sflag:s4], $0x0  }
0x19: {  	s7 =	sld [smem:$0x3F9C]  }
0x1a: {  	s8 =	sadd.s32 $0xFFFFE003, lr  }
0x1b: {  	s9 =	sadd.s32 $0xFFFFFEF7, lr;
	s5 =	simm.s32 $0xFFFFFFFF;
	p2 =	slt.u32 s8, $0xFFFFF086  }
0x1c: {  	p1 =	slt.u32 s9, $0xF7A;
	s5 =	simm.s32 @!p2 $0x0  }
0x1d: {  	s5 =	simm.s32 @p1 $0x1;
	p0 =	seq.s32 s7, s2  }
0x1e: {  	s7 =	smul.u32 @!p0 $0xF7A, s2;
	p2 =	seq.s32 @!p0 s5, $0x0  }
0x1f: {  	s9 =	smul.u32 $0xF7A, s1;
	s8 =	simm.s32 @!p0 $0x1BF5;
	p2 =	por !p2, p0  }
0x20: {  	[sflag:s8] =	ssyncset.s32 @!p0 $0xFFFFF086;
	s6 =	sadd.s32 @!p0 s3, s7;
	s7 =	simm.s32 @!p0 $0x108  }
0x21: {  	s3 =	sadd.s32 s3, s9;
	s6 =	sadd.s32 @!p0 $0x88, s6;
	s7 =	simm.s32 @p2 $0x1082  }
0x22: {  	[simem:s7], [sflag:s8] =	dma.local @!p0 [hbm:s6], $0xF7A  }
0x23: {  	s9 =	sor.u32 $0xD0000000, s2;
	s6 =	simm.s32 $0x108;
	_ =	swait.ge @!p0 [sflag:s8], $0x0  }
0x24: {  	s3 =	sadd.s32 $0x88, s3;
	s6 =	simm.s32 @!p1 $0x1082;
	[sflag:s4] =	ssyncset.s32 $0xFFFFF086  }
0x25: {  	[simem:s6], [sflag:s4] =	dma.local [hbm:s3], $0xF7A  }
0x26: {  	[smem:$0x3F9C] =	sst s1;
	(tag) =	ssettag s2;
	_ =	strace s9  }
0x27: {  	s1 =	sld [smem:$0x3FAC]  }
0x28: {  	s2 =	sld [smem:$0x3FAD]  }
0x29: {  	s4 =	sld [smem:$0x3FAF]  }
0x2a: {  	p0 =	seq.s32 s5, $0x0;
	s5 =	sld [smem:$0x3FB0]  }
0x2b: {  	s6 =	sld [smem:$0x3FB1]  }
0x2c: {  	s7 =	sld [smem:$0x3FB2]  }
0x2d: {  	s3 =	simm.s32 $0x108;
	s8 =	sld [smem:$0x3FB3]  }
0x2e: {  	s3 =	simm.s32 @!p0 $0x1082;
	s9 =	sld [smem:$0x3FB4]  }
0x2f: {  	lr =	sadd.s32 s0, s3;
	s0 =	sld [smem:$0x3FAB]  }
0x30: {  	s3 =	sld [smem:$0x3FAE]  }
0x31: {  	[smem:$0x3FB7] =	sst s10  }
0x32: {  	s10 =	sld [smem:$0x3FB5];
	_ =	sdelay $0x3  }
0x33: {  	p0 =	seq.s32 s10, $0x1;
	s10 =	sld [smem:$0x3FB7];
	_ =	sdelay $0x3  }
0x34: {  	[smem:$0x3FB7] =	sst s10  }
0x35: {  	s10 =	sld [smem:$0x3FB6];
	_ =	sdelay $0x3  }
0x36: {  	p1 =	seq.s32 s10, $0x1;
	s10 =	sld [smem:$0x3FB7];
	_ =	sdelay $0x3  }
0x37: {  	[smem:$0x3FB7] =	sst s10  }
0x38: {  	s10 =	sld [smem:$0x3FB8]  }
0x39: {  	_ = 	snop;
	(pc) =	sbr.ind lr, $3  }
0x3a: {  	_ = 	snop  }
0x3b: {  	_ = 	snop  }
0x3c: {  	p2 =	seq.s32 s10, $0x1;
	s10 =	sld [smem:$0x3FB7]  }
0x3d: {  	_ =	shalt  }
0x3e: {  	_ =	shalt  }
0x3f: {  	_ =	shalt  }
0x40: {  	_ =	shalt  }
0x41: {  	_ =	shalt  }
0x42: {  	_ =	shalt  }
0x43: {  	_ =	shalt  }
0x44: {  	_ =	shalt  }
0x45: {  	_ =	shalt  }
0x46: {  	_ =	shalt  }
0x47: {  	_ =	shalt  }
0x48: {  	_ =	shalt  }
0x49: {  	_ =	shalt  }
0x4a: {  	_ =	shalt  }
0x4b: {  	_ =	shalt  }
0x4c: {  	_ =	shalt  }
0x4d: {  	_ =	shalt  }
0x4e: {  	_ =	shalt  }
0x4f: {  	_ =	shalt  }
0x50: {  	_ =	shalt  }
0x51: {  	_ =	shalt  }
0x52: {  	_ =	shalt  }
0x53: {  	_ =	shalt  }
0x54: {  	_ =	shalt  }
0x55: {  	_ =	shalt  }
0x56: {  	_ =	shalt  }
0x57: {  	_ =	shalt  }
0x58: {  	_ =	shalt  }
0x59: {  	_ =	shalt  }
0x5a: {  	_ =	shalt  }
0x5b: {  	_ =	shalt  }
0x5c: {  	_ =	shalt  }
0x5d: {  	_ =	shalt  }
0x5e: {  	_ =	shalt  }
0x5f: {  	_ =	shalt  }
0x60: {  	_ =	shalt  }
0x61: {  	_ =	shalt  }
0x62: {  	_ =	shalt  }
0x63: {  	_ =	shalt  }
0x64: {  	_ =	shalt  }
0x65: {  	_ =	shalt  }
0x66: {  	_ =	shalt  }
0x67: {  	_ =	shalt  }
0x68: {  	_ =	shalt  }
0x69: {  	_ =	shalt  }
0x6a: {  	_ =	shalt  }
0x6b: {  	_ =	shalt  }
0x6c: {  	_ =	shalt  }
0x6d: {  	_ =	shalt  }
0x6e: {  	_ =	shalt  }
0x6f: {  	_ =	shalt  }
0x70: {  	_ =	shalt  }
0x71: {  	_ =	shalt  }
0x72: {  	_ =	shalt  }
0x73: {  	_ =	shalt  }
0x74: {  	_ =	shalt  }
0x75: {  	_ =	shalt  }
0x76: {  	_ =	shalt  }
0x77: {  	_ =	shalt  }
0x78: {  	_ =	shalt  }
0x79: {  	_ =	shalt  }
0x7a: {  	_ =	shalt  }
0x7b: {  	_ =	shalt  }
0x7c: {  	_ =	shalt  }
0x7d: {  	_ =	shalt  }
0x7e: {  	_ =	shalt  }
0x7f: {  	_ =	shalt  }
0x80: {  	_ =	shalt  }
0x81: {  	_ =	shalt  }
0x82: {  	_ =	shalt  }
0x83: {  	_ =	shalt  }
0x84: {  	_ =	shalt  }
0x85: {  	_ =	shalt  }
0x86: {  	_ =	shalt  }
0x87: {  	_ =	shalt  }
.Lfunc_end0:
.L_simem_size_0:
called_computation_lowered:
.L_overlay_start_0:
0x88: {  	s2 =	sld [smem:$0x3FD9]  }
0x89: {  	s3 =	sld [smem:$0x3FFE];
	_ =	sdelay $0x1  }
0x8a: {  	s1 =	srdreg.scid  }
0x8b: {  	s0 =	sand.u32 $0x1, s1  }
0x8c: {  	s17 =	sshll.u32 s0, $0xA;
	s2 =	sadd.s32 s3, s2  }
0x8d: {  	s2 =	sadd.s32 s2, s17  }
0x8e: {  	[smem:$0x3FC3] =	sst s2  }
0x8f: {  	_ = 	snop  }
0x90: {  	s2 =	sld [smem:$0x3FD0];
	(tm) =	ssettm $0x1  }
0x91: {  	s18 =	sld [smem:$0x3FFB];
	_ =	sdelay $0x3  }
0x92: {  	_ =	strace s18  }
0x93: {  	s3 =	sld [smem:$0x3FFC];
	_ =	sdelay $0x3  }
0x94: {  	_ =	strace s3  }
0x95: {  	s3 =	sld [smem:$0x3FFD];
	_ =	sdelay $0x3  }
0x96: {  	_ =	strace s3  }
0x97: {  	_ =	strace $0x8FFFFFFF  }
0x98: {  	s19 =	sld [smem:$0x3FDB];
	_ =	sdelay $0x1  }
0x99: {  	s4 =	simm.s32 $_scs_section_size  }
0x9a: {  	s5 =	simm.s32 $_size__tile_overlayer_lowered;
	s6 =	simm.s32 $_tile_overlayer_lowered  }
0x9b: {  	s22 =	simm.s32 $0x1BFF;
	s21 =	sshll.u32 s6, $0x1;
	s3 =	sadd.s32 s4, s19  }
0x9c: {  	s7 =	simm.s32 $0x0;
	s20 =	sshll.u32 s5, $0x1;
	s5 =	sadd.s32 s21, s3  }
0x9d: {  	[timem:s7], [sflag:s22] =	dma.local [hbm:s5], s20  }
0x9e: {  	_ =	swait.ge [sflag:s22], s20  }
0x9f: {  	s4 =	ssub.s32 $0x0, s20;
	[sflag:s22] =	ssyncset.done $0x0  }
0xa0: {  	[sflag:s22] =	ssyncadd.s32 s4;
	_ =	sdelay $0x1  }
0xa1: {  	s23 =	simm.s32 $0x1B8B  }
0xa2: {  	_ =	swait.ge [sflag:s23], $0x1  }
0xa3: {  	[sflag:s23] =	ssyncset.done $0x0  }
0xa4: {  	s25 =	simm.s32 $0x1B8E;
	s24 =	sld [smem:$0x3FFE];
	[sflag:s23] =	ssyncadd.s32 $0xFFFFFFFF  }
0xa5: {  	s26 =	simm.s32 $execute0_lowered;
	[smem:$0x3FD2] =	sst s25  }
0xa6: {  	s5 =	sshll.u32 s26, $0x1;
	_ =	strace $0x80000046;
	[dreg:$0x1] =	wrdreg $0xFFFFFFFF  }
0xa7: {  	s28 =	simm.s32 $_size_execute0_lowered;
	s3 =	sadd.s32 s3, s5;
	[dreg:$0x0] =	wrdreg $0x0  }
0xa8: {  	s5 =	sshll.u32 s28, $0x1;
	[dreg:$0x2] =	wrdreg s3  }
0xa9: {  	[dreg:$0x3] =	wrdreg s5  }
0xaa: {  	[dreg:$0x4] =	wrdreg $0xC0  }
0xab: {  	_ =	task [dreg:s7], $0x5FFFF  }
0xac: {  	[dreg:$0x1] =	wrdreg $0xFFFFFFFF  }
0xad: {  	[dreg:$0x0] =	wrdreg $0x60  }
0xae: {  	[dreg:$0x2] =	wrdreg s24  }
0xaf: {  	[dreg:$0x3] =	wrdreg s2  }
0xb0: {  	[dreg:$0x4] =	wrdreg $0x9  }
0xb1: {  	_ =	task.clear_ibuf [dreg:s7], $0x5FFFF;
	_ =	strace $0x90000046  }
0xb2: {  	s29 =	simm.s32 $0x9;
	_ =	strace $0x80000048  }
0xb3: {  	_ =	swait.ge [sflag:s29], $0x1  }
0xb4: {  	[sflag:s29] =	ssyncadd.s32 $0xFFFFFFFF  }
0xb5: {  	_ =	strace $0x90000048  }
0xb6: {  	_ =	sfence  }
0xb7: {  	s30 =	sld [smem:$0x0];
	_ =	sdelay $0x2  }
0xb8: {  	s31 =	sshll.u32 s1, $0xD;
	s1 =	sshrl.u32 s1, $0x2  }
0xb9: {  	s3 =	sand.u32 $0x4000, s31;
	s1 =	sadd.s32 s1, s30  }
0xba: {  	s0 =	sor.u32 s3, s0;
	s1 =	sshll.u32 s1, $0x11  }
0xbb: {  	s0 =	sor.u32 s1, s0  }
0xbc: {  	s0 =	sadd.s32 $0x8F2B, s0  }
0xbd: {  	[sflag:s0] =	ssyncadd.remote.s32 $0x1  }
0xbe: {  	_ =	sfence.sel $0xFFFF  }
0xbf: {  	[dreg:$0x0] =	wrdreg $0xFFFFFFFF;
	(pc) =	sbr.abs _section_cstart, $3  }
0xc0: {  	[dreg:$0x1] =	wrdreg $0xFFFFFFFF  }
0xc1: {  	_ =	task.clear_ibuf [dreg:s7], $0x2FFFF;
	_ =	strace $0x9FFFFFFF  }
0xc2: {  	(tm) =	ssettm $0x7FFFFFFF  }
0xc3: {  	_ =	shalt  }
tec
execute0_lowered:
.L_overlay_start_1:
0x0: {  	(tag) =	ssettag $0x1  }
0x1: {  	s0 =	rddreg [dreg:$0x0]  }
0x2: {  	s1 =	rddreg [dreg:$0x1];
	s2 =	simm.s32 $0x0  }
0x3: {  	s4 =	srdreg.scid;
	s5 =	stileid.u32;
	s12 =	simm.s32 $0x5  }
0x4: {  	s13 =	simm.s32 $0x200;
	s14 =	simm.s32 $0x80;
	s15 =	simm.s32 $0x10400  }
0x5: {  	s16 =	simm.s32 $0x10600;
	s18 =	simm.s32 $0x280;
	s20 =	simm.s32 $0x100  }
0x6: {  	s22 =	simm.s32 $0x300;
	s24 =	simm.s32 $0x180;
	s26 =	simm.s32 $0x380  }
0x7: {  	s29 =	simm.s32 $0x400;
	s30 =	simm.s32 $0x8400;
	s31 =	simm.s32 $0x4400  }
0x8: {  	s17 =	simm.s32 $0x2;
	s21 =	simm.s32 $0x3;
	s23 =	simm.s32 $0x4  }
0x9: {  	s25 =	simm.s32 $0x0;
	[smem:$0x7FF] =	sst s2;
	s3 =	sadd.s32 $0x316600, s0  }
0xa: {  	s6 =	sand.u32 $0x1, s4;
	s7 =	sshll.u32 s5, $0x1;
	s4 =	sadd.s32 $0x310200, s0  }
0xb: {  	s5 =	sadd.s32 $0x313400, s0;
	_ =	strace $0x80000047;
	s7 =	sor.u32 s6, s7  }
0xc: {  	s6 =	ssub.s32 $0x2, s6;
	s8 =	sshll.u32 s7, $0x4;
	s7 =	sshll.u32 s7, $0x6  }
0xd: {  	s9 =	sshrl.u32 s6, $0x1;
	s8 =	sadd.s32 s8, s0;
	s0 =	sadd.s32 s7, s0  }
0xe: {  	s11 =	ssub.s32 s6, s9;
	s7 =	sadd.s32 s1, s7;
	s1 =	simm.s32 $0x1  }
0xf: {  	s6 =	sadd.s32 $0x2600, s0;
	s8 =	sadd.s32 $0x3E00, s8;
	s9 =	sadd.s32 $0x2E00, s0  }
0x10: {  	s10 =	sadd.s32 $0x3600, s0;
	s11 =	smax.u32 s11, $0x1;
	s0 =	simm.s32 $0xC400  }
.LBB2_1:
0x11: {  	[tilespmem:s2], [sflag:$0x5] =	stream.linear.gather [hbm4b:s6+s2], $0x200, $0x38;
	[tilespmem:$0x10880] =	vst v63  }
0x12: {  	_ =	swait.ge [sflag:s12], $0x200  }
0x13: {  	[sflag:s12] =	ssyncset.done $0x0  }
0x14: {  	[sflag:s12] =	ssyncadd.s32 $0xFFFFFE00  }
0x15: {  	[tilespmem:s13], [sflag:$0x5] =	stream.linear.gather [hbm4b:s7+s2], $0x200, $0x38;
	[tilespmem:$0x10880] =	vst v63  }
0x16: {  	_ =	swait.ge [sflag:s12], $0x200  }
0x17: {  	[sflag:s12] =	ssyncset.done $0x0  }
0x18: {  	[sflag:s12] =	ssyncadd.s32 $0xFFFFFE00  }
0x19: {  	[tilespmem:s15], [sflag:$0x3] =	stream.indirect.gather [hbm4b:s4+s14], $0x1, s2, s14, $0xb8;
	[tilespmem:$0x10880] =	vst v63  }
0x1a: {  	_ = 	snop  }
0x1b: {  	[tilespmem:s16], [sflag:$0x4] =	stream.indirect.gather [hbm4b:s5+s14], $0x1, s13, s14, $0xb8;
	[tilespmem:$0x10880] =	vst v63  }
0x1c: {  	s19 =	simm.s32 $0x10480  }
0x1d: {  	[tilespmem:s19], [sflag:$0x3] =	stream.indirect.gather [hbm4b:s4+s14], $0x1, s14, s14, $0xb8;
	[tilespmem:$0x10880] =	vst v63  }
0x1e: {  	s19 =	simm.s32 $0x10680  }
0x1f: {  	[tilespmem:s19], [sflag:$0x4] =	stream.indirect.gather [hbm4b:s5+s14], $0x1, s18, s14, $0xb8;
	[tilespmem:$0x10880] =	vst v63  }
0x20: {  	s19 =	simm.s32 $0x10500  }
0x21: {  	[tilespmem:s19], [sflag:$0x3] =	stream.indirect.gather [hbm4b:s4+s14], $0x1, s20, s14, $0xb8;
	[tilespmem:$0x10880] =	vst v63  }
0x22: {  	s19 =	simm.s32 $0x10700  }
0x23: {  	[tilespmem:s19], [sflag:$0x4] =	stream.indirect.gather [hbm4b:s5+s14], $0x1, s22, s14, $0xb8;
	[tilespmem:$0x10880] =	vst v63  }
0x24: {  	s19 =	simm.s32 $0x10580  }
0x25: {  	[tilespmem:s19], [sflag:$0x3] =	stream.indirect.gather [hbm4b:s4+s14], $0x1, s24, s14, $0xb8;
	[tilespmem:$0x10880] =	vst v63  }
0x26: {  	s19 =	simm.s32 $0x10780  }
0x27: {  	[tilespmem:s19], [sflag:$0x4] =	stream.indirect.gather [hbm4b:s5+s14], $0x1, s26, s14, $0xb8;
	[tilespmem:$0x10880] =	vst v63  }
0x28: {  	_ = 	snop  }
0x29: {  	[tilespmem:s29], [sflag:$0x1] =	stream.indirect.gather [hbm4b:s3+s14], $0x80, s2, s14, $0xb8;
	[tilespmem:$0x10880] =	vst v63  }
0x2a: {  	_ = 	snop  }
0x2b: {  	[tilespmem:s30], [sflag:$0x2] =	stream.indirect.gather [hbm4b:s3+s14], $0x80, s13, s14, $0xb8;
	[tilespmem:$0x10880] =	vst v63  }
0x2c: {  	_ = 	snop  }
0x2d: {  	[tilespmem:s31], [sflag:$0x1] =	stream.indirect.gather [hbm4b:s3+s14], $0x80, s14, s14, $0xb8;
	[tilespmem:$0x10880] =	vst v63  }
0x2e: {  	_ = 	snop  }
0x2f: {  	[tilespmem:s0], [sflag:$0x2] =	stream.indirect.gather [hbm4b:s3+s14], $0x80, s18, s14, $0xb8;
	[tilespmem:$0x10880] =	vst v63  }
0x30: {  	_ =	swait.ge [sflag:s1], $0x4000  }
0x31: {  	[sflag:s1] =	ssyncset.done $0x0  }
0x32: {  	[sflag:s1] =	ssyncadd.s32 $0xFFFFC000  }
0x33: {  	_ =	swait.ge [sflag:s17], $0x4000  }
0x34: {  	[sflag:s17] =	ssyncset.done $0x0  }
0x35: {  	[sflag:s17] =	ssyncadd.s32 $0xFFFFC000  }
0x36: {  	_ =	swait.ge [sflag:s1], $0x4000  }
0x37: {  	[sflag:s1] =	ssyncset.done $0x0  }
0x38: {  	[sflag:s1] =	ssyncadd.s32 $0xFFFFC000  }
0x39: {  	_ =	swait.ge [sflag:s17], $0x4000  }
0x3a: {  	[sflag:s17] =	ssyncset.done $0x0  }
0x3b: {  	s19 =	simm.s32 $0x0;
	[sflag:s17] =	ssyncadd.s32 $0xFFFFC000  }
0x3c: {  	v0 =	vld [tilespmem:s19+$0x430]  }
0x3d: {  	v1 =	vld [tilespmem:s19+$0x8470]  }
0x3e: {  	v4 =	vld [tilespmem:s19+$0x400]  }
0x3f: {  	v5 =	vld [tilespmem:s19+$0x8440];
	_ =	sdelay $0x1  }
0x40: {  	v2 =	vld [tilespmem:s19+$0x410]  }
0x41: {  	v7 =	vld [tilespmem:s19+$0x8450]  }
0x42: {  	v3 =	vld [tilespmem:s19+$0x420];
	v0 =	vmul.f32 v1, v0  }
0x43: {  	s28 =	simm.s32 $0x80;
	v8 =	vld [tilespmem:s19+$0x8460];
	v1 =	vimm.f32 $0.0e+00;
	v9 =	vmul.f32 v5, v4  }
0x44: {  	v6 =	vld [tilespmem:s28+$0x430];
	s19 =	simm.s32 $0x400;
	v5 =	vimm.f32 $0.0e+00;
	v4 =	vimm.f32 $0.0e+00;
	v0 =	vadd.f32 v0, v1  }
.LBB2_2:
0x45: {  	p0 =	sne.s32 s19, $0x1FE00;
	v10 =	vld [tilespmem:s28+$0x8470]  }
0x46: {  	v11 =	vld [tilespmem:s28+$0x400];
	v1 =	vadd.f32 v9, v1;
	v7 =	vmul.f32 v7, v2  }
0x47: {  	v9 =	vld [tilespmem:s28+$0x8440]  }
.Ltmp0:
0x48: {  	v2 =	vld [tilespmem:s28+$0x410];
	v5 =	vadd.f32 v7, v5;
	v8 =	vmul.f32 v8, v3;
	(pc) =	sbr.rel @p0 .LBB2_2-.Ltmp0, $4  }
0x49: {  	v7 =	vld [tilespmem:s28+$0x8450]  }
0x4a: {  	v3 =	vld [tilespmem:s28+$0x420];
	v10 =	vmul.f32 v10, v6;
	v4 =	vadd.f32 v8, v4  }
0x4b: {  	v8 =	vld [tilespmem:s28+$0x8460];
	s28 =	sshra.s32 s19, $0x2  }
0x4c: {  	s19 =	sadd.s32 $0x200, s19;
	v6 =	vld [tilespmem:s28+$0x430];
	v9 =	vmul.f32 v9, v11;
	v0 =	vadd.f32 v10, v0  }
0x4d: {  	v10 =	vld [tilespmem:s28+$0x8470]  }
0x4e: {  	v11 =	vld [tilespmem:s28+$0x400]  }
0x4f: {  	v12 =	vld [tilespmem:s28+$0x8440]  }
0x50: {  	v13 =	vld [tilespmem:s28+$0x410]  }
0x51: {  	v14 =	vld [tilespmem:s28+$0x8450]  }
0x52: {  	v15 =	vld [tilespmem:s28+$0x420]  }
0x53: {  	v16 =	vld [tilespmem:s28+$0x8460];
	[tilespmem:s29], [sflag:$0x1] =	stream.indirect.gather [hbm4b:s3+s14], $0x80, s20, s14, $0xb8  }
0x54: {  	_ = 	snop  }
0x55: {  	[tilespmem:s30], [sflag:$0x2] =	stream.indirect.gather [hbm4b:s3+s14], $0x80, s22, s14, $0xb8;
	[tilespmem:$0x10880] =	vst v63  }
0x56: {  	_ = 	snop  }
0x57: {  	[tilespmem:s31], [sflag:$0x1] =	stream.indirect.gather [hbm4b:s3+s14], $0x80, s24, s14, $0xb8;
	[tilespmem:$0x10880] =	vst v63  }
0x58: {  	_ = 	snop  }
0x59: {  	[tilespmem:s0], [sflag:$0x2] =	stream.indirect.gather [hbm4b:s3+s14], $0x80, s26, s14, $0xb8;
	[tilespmem:$0x10880] =	vst v63  }
0x5a: {  	_ =	swait.ge [sflag:s1], $0x4000  }
0x5b: {  	[sflag:s1] =	ssyncset.done $0x0  }
0x5c: {  	[sflag:s1] =	ssyncadd.s32 $0xFFFFC000  }
0x5d: {  	_ =	swait.ge [sflag:s17], $0x4000  }
0x5e: {  	[sflag:s17] =	ssyncset.done $0x0  }
0x5f: {  	[sflag:s17] =	ssyncadd.s32 $0xFFFFC000  }
0x60: {  	_ =	swait.ge [sflag:s1], $0x4000  }
0x61: {  	[sflag:s1] =	ssyncset.done $0x0  }
0x62: {  	[sflag:s1] =	ssyncadd.s32 $0xFFFFC000  }
0x63: {  	_ =	swait.ge [sflag:s17], $0x4000  }
0x64: {  	[sflag:s17] =	ssyncset.done $0x0  }
0x65: {  	s19 =	simm.s32 $0x0;
	[sflag:s17] =	ssyncadd.s32 $0xFFFFC000  }
0x66: {  	v17 =	vld [tilespmem:s19+$0x430]  }
0x67: {  	v18 =	vld [tilespmem:s19+$0x8470]  }
0x68: {  	v2 =	vmul.f32 v7, v2;
	v19 =	vld [tilespmem:s19+$0x400]  }
0x69: {  	v3 =	vmul.f32 v8, v3;
	v20 =	vld [tilespmem:s19+$0x8440]  }
0x6a: {  	v7 =	vadd.f32 v9, v1;
	v2 =	vadd.f32 v2, v5;
	v5 =	vmul.f32 v10, v6;
	v1 =	vld [tilespmem:s19+$0x410]  }
0x6b: {  	v4 =	vadd.f32 v3, v4;
	v3 =	vmul.f32 v12, v11;
	v8 =	vmul.f32 v14, v13;
	v6 =	vld [tilespmem:s19+$0x8450]  }
0x6c: {  	v9 =	vmul.f32 v16, v15;
	v10 =	vadd.f32 v5, v0;
	v5 =	vld [tilespmem:s19+$0x420];
	v11 =	vmul.f32 v18, v17  }
0x6d: {  	s28 =	simm.s32 $0x80;
	v3 =	vadd.f32 v3, v7;
	v0 =	vadd.f32 v8, v2;
	v8 =	vld [tilespmem:s19+$0x8460]  }
0x6e: {  	v2 =	vadd.f32 v9, v4;
	v7 =	vld [tilespmem:s28+$0x430];
	s19 =	simm.s32 $0x400;
	v9 =	vmul.f32 v20, v19;
	v4 =	vadd.f32 v11, v10  }
.LBB2_4:
0x6f: {  	p0 =	sne.s32 s19, $0x1FE00;
	v10 =	vld [tilespmem:s28+$0x8470]  }
0x70: {  	v11 =	vld [tilespmem:s28+$0x400];
	v3 =	vadd.f32 v9, v3;
	v6 =	vmul.f32 v6, v1  }
0x71: {  	v9 =	vld [tilespmem:s28+$0x8440]  }
.Ltmp1:
0x72: {  	v1 =	vld [tilespmem:s28+$0x410];
	v0 =	vadd.f32 v6, v0;
	v8 =	vmul.f32 v8, v5;
	(pc) =	sbr.rel @p0 .LBB2_4-.Ltmp1, $4  }
0x73: {  	v6 =	vld [tilespmem:s28+$0x8450]  }
0x74: {  	v5 =	vld [tilespmem:s28+$0x420];
	v10 =	vmul.f32 v10, v7;
	v2 =	vadd.f32 v8, v2  }
0x75: {  	v8 =	vld [tilespmem:s28+$0x8460];
	s28 =	sshra.s32 s19, $0x2  }
0x76: {  	s19 =	sadd.s32 $0x200, s19;
	v7 =	vld [tilespmem:s28+$0x430];
	v9 =	vmul.f32 v9, v11;
	v4 =	vadd.f32 v10, v4  }
0x77: {  	v10 =	vld [tilespmem:s28+$0x8470]  }
0x78: {  	v11 =	vld [tilespmem:s28+$0x400]  }
0x79: {  	v12 =	vld [tilespmem:s28+$0x8440]  }
0x7a: {  	v13 =	vld [tilespmem:s28+$0x410]  }
0x7b: {  	v14 =	vld [tilespmem:s28+$0x8450]  }
0x7c: {  	v15 =	vld [tilespmem:s28+$0x420]  }
0x7d: {  	v16 =	vld [tilespmem:s28+$0x8460];
	_ =	sdelay $0x1  }
0x7e: {  	v1 =	vmul.f32 v6, v1  }
0x7f: {  	v3 =	vadd.f32 v9, v3;
	v5 =	vmul.f32 v8, v5  }
0x80: {  	v0 =	vadd.f32 v1, v0;
	v60 =	vmul.f32 v10, v7;
	v61 =	vmul.f32 v12, v11  }
0x81: {  	v2 =	vadd.f32 v5, v2;
	v62 =	vmul.f32 v14, v13;
	v63 =	vmul.f32 v16, v15  }
0x82: {  	v1 =	vadd.f32 v60, v4;
	v3 =	vadd.f32 v61, v3  }
0x83: {  	v0 =	vadd.f32 v62, v0;
	v2 =	vadd.f32 v63, v2;
	_ =	sdelay $0x1  }
0x84: {  	v0 =	vadd.f32 v0, v3;
	v1 =	vadd.f32 v1, v2;
	_ =	sdelay $0x1  }
0x85: {  	v0 =	vadd.f32 v1, v0;
	_ =	sdelay $0x1  }
0x86: {  	s19 =	simm.s32 $0x10800;
	[tilespmem:$0x10800] =	vst v0  }
0x87: {  	[hbm4b:s8+s2] =	stream.linear.scatter [tilespmem:s19], [sflag:$0x5], $0x80, $0x38;
	[tilespmem:$0x10880] =	vst v63  }
0x88: {  	_ =	swait.ge [sflag:s12], $0x80  }
0x89: {  	[sflag:s12] =	ssyncset.done $0x0  }
0x8a: {  	[sflag:s12] =	ssyncadd.s32 $0xFFFFFF80  }
0x8b: {  	_ =	swait.ge [sflag:s21], $0x80  }
0x8c: {  	[sflag:s21] =	ssyncset.done $0x0  }
0x8d: {  	[sflag:s21] =	ssyncadd.s32 $0xFFFFFF80  }
0x8e: {  	_ =	swait.ge [sflag:s23], $0x80  }
0x8f: {  	[sflag:s23] =	ssyncset.done $0x0  }
0x90: {  	[sflag:s23] =	ssyncadd.s32 $0xFFFFFF80  }
0x91: {  	_ =	swait.ge [sflag:s21], $0x80  }
0x92: {  	[sflag:s21] =	ssyncset.done $0x0  }
0x93: {  	[sflag:s21] =	ssyncadd.s32 $0xFFFFFF80  }
0x94: {  	_ =	swait.ge [sflag:s23], $0x80  }
0x95: {  	[sflag:s23] =	ssyncset.done $0x0  }
0x96: {  	[sflag:s23] =	ssyncadd.s32 $0xFFFFFF80  }
0x97: {  	_ =	swait.ge [sflag:s21], $0x80  }
0x98: {  	[sflag:s21] =	ssyncset.done $0x0  }
0x99: {  	[sflag:s21] =	ssyncadd.s32 $0xFFFFFF80  }
0x9a: {  	_ =	swait.ge [sflag:s23], $0x80  }
0x9b: {  	[sflag:s23] =	ssyncset.done $0x0  }
0x9c: {  	[sflag:s23] =	ssyncadd.s32 $0xFFFFFF80  }
0x9d: {  	_ =	swait.ge [sflag:s21], $0x80  }
0x9e: {  	[sflag:s21] =	ssyncset.done $0x0  }
0x9f: {  	[sflag:s21] =	ssyncadd.s32 $0xFFFFFF80  }
0xa0: {  	_ =	swait.ge [sflag:s23], $0x80  }
0xa1: {  	[sflag:s23] =	ssyncset.done $0x0  }
0xa2: {  	[sflag:s23] =	ssyncadd.s32 $0xFFFFFF80  }
0xa3: {  	[hbm4b:s9+s2] =	stream.linear.scatter [tilespmem:s15], [sflag:$0x5], $0x200, $0x38;
	[tilespmem:$0x10880] =	vst v63  }
0xa4: {  	s25 =	sadd.s32 $0x1, s25;
	_ =	swait.ge [sflag:s12], $0x200  }
0xa5: {  	p0 =	sne.s32 s25, s11;
	[sflag:s12] =	ssyncset.done $0x0  }
.Ltmp2:
0xa6: {  	[sflag:s12] =	ssyncadd.s32 $0xFFFFFE00;
	(pc) =	sbr.rel @p0 .LBB2_1-.Ltmp2, $4  }
0xa7: {  	[hbm4b:s10+s2] =	stream.linear.scatter [tilespmem:s16], [sflag:$0x5], $0x200, $0x38;
	[tilespmem:$0x10880] =	vst v63  }
0xa8: {  	_ =	swait.ge [sflag:s12], $0x200  }
0xa9: {  	[sflag:s12] =	ssyncset.done $0x0  }
0xaa: {  	[sflag:s12] =	ssyncadd.s32 $0xFFFFFE00  }
0xab: {  	_ =	sfence.sel $0x180000  }
0xac: {  	[bflag:$0x0] =	sbarrier.arrive $0xFFFF  }
0xad: {  	_ =	strace $0x90000047  }
0xae: {  	s0 =	stileid.u32;
	[bflag:$0x2] =	sbarrier.arrive $0xFFFF  }
0xaf: {  	p0 =	sne.s32 s0, $0x0;
	s0 =	rddreg [dreg:$0x2]  }
0xb0: {  	s0 =	sadd.s32 @!p0 $0x100000, s0  }
0xb1: {  	[sflag:s0] =	ssyncadd.tile.s32 @!p0 $0x1;
	_ =	shalt  }
.Lfunc_end2:
_tile_overlayer_lowered:
.L_overlay_start_2:
0xb2: {  	(tag) =	ssettag $0x2  }
0xb3: {  	s0 =	rddreg [dreg:$0x0];
	s2 =	stileid.u32  }
0xb4: {  	s1 =	rddreg [dreg:$0x1];
	p0 =	sne.s32 s2, $0x0  }
0xb5: {  	s3 =	rddreg [dreg:$0x2];
	[bflag:$0x3] =	sbarrier.arrive $0xFFFF;
	s2 =	simm.s32 @!p0 $0x1C05  }
0xb6: {  	[timem:s3], [sflag:s2] =	dma.local @!p0 [hbm:s0], s1  }
0xb7: {  	s0 =	simm.s32 @!p0 $0x5  }
0xb8: {  	_ =	swait.ge @!p0 [sflag:s0], s1  }
0xb9: {  	s1 =	ssub.s32 @!p0 $0x0, s1;
	[sflag:s0] =	ssyncset.done @!p0 $0x0  }
0xba: {  	[sflag:s0] =	ssyncadd.s32 @!p0 s1  }
0xbb: {  	[bflag:$0x3] =	sbarrier.arrive $0xFFFF  }
0xbc: {  	_ =	shalt  }

</sc_bundles>
